<compile_context>
chip_gen: v7x
topology: tpu7x:2x2x1
jax: 0.10.2.dev20260603
libtpu: 0.0.44.dev20260713+nightly
codegen_flags: <defaults>
</compile_context>

<pallas_src>
import functools

import jax
import jax.numpy as jnp
from jax import lax
from jax.experimental import pallas as pl
from jax.experimental.pallas import tpu as pltpu
from jax.experimental.pallas import tpu_sc as plsc

BATCH = 4096
HIST = 200
DIM = 32
NC = 2
NS = 16
LANES = 16
NW = NC * NS
B_PER_W = BATCH // NW
CHUNKS = ((0, 104), (104, 96))
INV_HIST = 1.0 / HIST

NBUF = 4
UNROLL = 8


def _body(idx_hbm, table_hbm, out_hbm, idx_v,
          b0, b1, b2, b3, out_v, s0_, s1_, s2_, s3_):
    bufs = (b0, b1, b2, b3)
    sems = (s0_, s1_, s2_, s3_)
    wid = lax.axis_index("s") * NC + lax.axis_index("c")
    base = wid * B_PER_W
    pltpu.sync_copy(idx_hbm.at[pl.ds(pl.multiple_of(base, 8), B_PER_W)], idx_v)

    def start(r, buf, sem):
        for off, n in CHUNKS:
            pltpu.async_copy(
                table_hbm.at[idx_v.at[r, pl.ds(off, n)]],
                buf.at[pl.ds(off, n)],
                sem,
            )

    def drain(buf, sem):
        for off, n in CHUNKS:
            pltpu.make_async_copy(
                table_hbm.at[idx_v.at[0, pl.ds(off, n)]],
                buf.at[pl.ds(off, n)],
                sem,
            ).wait()

    def acc_row(buf):
        def step(j, s):
            sa0, sb0, sa1, sb1 = s
            base_r = j * UNROLL
            for u in range(UNROLL):
                r = base_r + u
                if u % 2 == 0:
                    sa0 = sa0 + buf[r, pl.ds(0, LANES)]
                    sa1 = sa1 + buf[r, pl.ds(LANES, LANES)]
                else:
                    sb0 = sb0 + buf[r, pl.ds(0, LANES)]
                    sb1 = sb1 + buf[r, pl.ds(LANES, LANES)]
            return sa0, sb0, sa1, sb1

        z = jnp.zeros((LANES,), jnp.float32)
        sa0, sb0, sa1, sb1 = lax.fori_loop(0, HIST // UNROLL, step, (z, z, z, z))
        return (sa0 + sb0) * INV_HIST, (sa1 + sb1) * INV_HIST

    for s in range(NBUF):
        start(s, bufs[s], sems[s])

    def outer(i, carry):
        g = i * NBUF
        for s in range(NBUF):
            r = g + s
            drain(bufs[s], sems[s])
            m0, m1 = acc_row(bufs[s])
            out_v[r, pl.ds(0, LANES)] = m0
            out_v[r, pl.ds(LANES, LANES)] = m1
            rp = r + NBUF

            @pl.when(rp < B_PER_W)
            def _():
                start(rp, bufs[s], sems[s])

        return carry

    lax.fori_loop(0, B_PER_W // NBUF, outer, 0)
    pltpu.sync_copy(out_v, out_hbm.at[pl.ds(pl.multiple_of(base, 8), B_PER_W)])


_mesh = plsc.VectorSubcoreMesh(
    core_axis_name="c", subcore_axis_name="s", num_cores=NC, num_subcores=NS
)

_sc_call = functools.partial(
    pl.kernel,
    out_type=jax.ShapeDtypeStruct((BATCH, DIM), jnp.float32),
    mesh=_mesh,
    scratch_types=(
        [pltpu.VMEM((B_PER_W, HIST), jnp.int32)]
        + [pltpu.VMEM((HIST, DIM), jnp.float32) for _ in range(NBUF)]
        + [pltpu.VMEM((B_PER_W, DIM), jnp.float32)]
        + [pltpu.SemaphoreType.DMA for _ in range(NBUF)]
    ),
    compiler_params=pltpu.CompilerParams(use_tc_tiling_on_sc=False),
)(_body)


@jax.jit
def kernel(inputs, table):
    return _sc_call(inputs.astype(jnp.int32), table)

# --- scband reference (transcript-rebuilt; emitter-appended) ---
"""Pipeline reference for scband-reduce-mean-layer-16552803959392 (READ-ONLY COPY).

The authoritative reference and input builder live on the scoring server;
editing this copy changes nothing except your own understanding.
"""

import jax, jax.numpy as jnp
import numpy as np

INPUT_DIM = 1000000
OUTPUT_DIM = 32
BATCH = 4096
HIST_LEN = 200

def setup_inputs(seed: int = 0) -> dict:
    key = jax.random.key(seed)
    k_idx, k_tab = jax.random.split(key)
    inputs = jax.random.randint(k_idx, (BATCH, HIST_LEN), 0, INPUT_DIM, dtype=jnp.int64 if jax.config.jax_enable_x64 else jnp.int32)
    table = jax.random.normal(k_tab, (INPUT_DIM, OUTPUT_DIM), dtype=jnp.float32) * 0.05
    return {"inputs": inputs, "table": table}

def reference(inputs, table):
    # Embedding lookup (gather), then mean-pool over the sequence axis.
    # When called directly (no upstream mask propagated), the Keras layer
    # takes the mask=None branch: tf.reduce_mean(x, axis=1).
    x = jnp.take(table, inputs, axis=0)  # [B, L, D]
    return jnp.mean(x, axis=1)           # [B, D]

if __name__ == "__main__":
    import jax
    _d = setup_inputs()
    print(jax.jit(kernel)(*tuple(_d.values())))

</pallas_src>

<mosaic_0001>
#map = affine_map<(d0, d1) -> (0, 0)>
module attributes {stable_mosaic.version = 14 : i64} {
  func.func @_body(%arg0: i32, %arg1: i32, %arg2: memref<4096x200xi32, #tpu.memory_space<hbm>>, %arg3: memref<1000000x32xf32, #tpu.memory_space<hbm>>, %arg4: memref<4096x32xf32, #tpu.memory_space<hbm>>, %arg5: memref<128x200xi32, #tpu.memory_space<vmem>>, %arg6: memref<200x32xf32, #tpu.memory_space<vmem>>, %arg7: memref<200x32xf32, #tpu.memory_space<vmem>>, %arg8: memref<200x32xf32, #tpu.memory_space<vmem>>, %arg9: memref<200x32xf32, #tpu.memory_space<vmem>>, %arg10: memref<128x32xf32, #tpu.memory_space<vmem>>, %arg11: memref<!tpu.dma_semaphore, #tpu.memory_space<semaphore_mem>>, %arg12: memref<!tpu.dma_semaphore, #tpu.memory_space<semaphore_mem>>, %arg13: memref<!tpu.dma_semaphore, #tpu.memory_space<semaphore_mem>>, %arg14: memref<!tpu.dma_semaphore, #tpu.memory_space<semaphore_mem>>) attributes {dimension_semantics = [#tpu.dimension_semantics<core_parallel>, #tpu.dimension_semantics<subcore_parallel>], iteration_bounds = array<i64: 2, 16>, scalar_prefetch = 0 : i64, scratch_operands = 10 : i64, tpu.core_type = #tpu.core_type<sc_vector_subcore>, window_params = [{transform_indices = #map}, {transform_indices = #map}, {transform_indices = #map}]} {
    %mul3A = arith.constant 2 : i32
    %mul3A_0 = arith.muli %arg1, %mul3A : i32
    %add3A = arith.addi %mul3A_0, %arg0 : i32
    %mul3A_1 = arith.constant 128 : i32
    %mul3A_2 = arith.muli %add3A, %mul3A_1 : i32
    %multiple_of3A = tpu.assume_multiple %mul3A_2, 8 : i32
    "tpu.region"() ({
      %run_scoped3A = tpu.sem_alloc : memref<!tpu.dma_semaphore, #tpu.memory_space<semaphore_mem>>
      %dma_start3A_88 = arith.constant 0 : i32
      %dma_start3A_89 = tpu.memref_slice %arg2[%multiple_of3A, %dma_start3A_88] : memref<4096x200xi32, #tpu.memory_space<hbm>> -> memref<128x200xi32, #tpu.memory_space<hbm>>
      %dma_start3A_90 = arith.constant 0 : i32
      %dma_start3A_91 = tpu.memref_slice %arg2[%multiple_of3A, %dma_start3A_90] : memref<4096x200xi32, #tpu.memory_space<hbm>> -> memref<128x200xi32, #tpu.memory_space<hbm>>
      tpu.enqueue_dma source(%dma_start3A_91 : memref<128x200xi32, #tpu.memory_space<hbm>>) target(%arg5 : memref<128x200xi32, #tpu.memory_space<vmem>>) target_semaphore(%run_scoped3A : memref<!tpu.dma_semaphore, #tpu.memory_space<semaphore_mem>>)
      %dma_wait3A = arith.constant 0 : i32
      %dma_wait3A_92 = tpu.memref_slice %arg2[%multiple_of3A, %dma_wait3A] : memref<4096x200xi32, #tpu.memory_space<hbm>> -> memref<128x200xi32, #tpu.memory_space<hbm>>
      %dma_wait3A_93 = arith.constant 0 : i32
      %dma_wait3A_94 = tpu.memref_slice %arg2[%multiple_of3A, %dma_wait3A_93] : memref<4096x200xi32, #tpu.memory_space<hbm>> -> memref<128x200xi32, #tpu.memory_space<hbm>>
      tpu.wait_dma2 semaphore(%run_scoped3A : memref<!tpu.dma_semaphore, #tpu.memory_space<semaphore_mem>>) src(%dma_wait3A_94 : memref<128x200xi32, #tpu.memory_space<hbm>>) dst(%arg5 : memref<128x200xi32, #tpu.memory_space<vmem>>)
      tpu.yield
    }) : () -> ()
    %dma_start3A = arith.constant 0 : i32
    %dma_start3A_3 = arith.constant 0 : i32
    %dma_start3A_4 = arith.constant 0 : i32
    %dma_start3A_5 = tpu.memref_slice %arg6[%dma_start3A_3, %dma_start3A_4] : memref<200x32xf32, #tpu.memory_space<vmem>> -> memref<104x32xf32, #tpu.memory_space<vmem>>
    %dma_start3A_6 = arith.constant 0 : i32
    %dma_start3A_7 = tpu.memref_slice %arg5[%dma_start3A, %dma_start3A_6] : memref<128x200xi32, #tpu.memory_space<vmem>> -> memref<1x104xi32, #tpu.memory_space<vmem>>
    %dma_start3A_8 = tpu.memref_squeeze %dma_start3A_7 : memref<1x104xi32, #tpu.memory_space<vmem>> -> memref<104xi32, #tpu.memory_space<vmem>>
    %dma_start3A_9 = arith.constant 0 : i32
    %dma_start3A_10 = arith.constant 0 : i32
    %dma_start3A_11 = tpu.memref_slice %arg3[%dma_start3A_9, %dma_start3A_10] : memref<1000000x32xf32, #tpu.memory_space<hbm>> -> memref<1000000x32xf32, #tpu.memory_space<hbm>>
    tpu.enqueue_indirect_dma source(%dma_start3A_11 : memref<1000000x32xf32, #tpu.memory_space<hbm>>) target(%dma_start3A_5 : memref<104x32xf32, #tpu.memory_space<vmem>>) offsets(%dma_start3A_8 : memref<104xi32, #tpu.memory_space<vmem>>) semaphore(%arg11 : memref<!tpu.dma_semaphore, #tpu.memory_space<semaphore_mem>>)
    %dma_start3A_12 = arith.constant 0 : i32
    %dma_start3A_13 = arith.constant 104 : i32
    %dma_start3A_14 = arith.constant 0 : i32
    %dma_start3A_15 = tpu.memref_slice %arg6[%dma_start3A_13, %dma_start3A_14] : memref<200x32xf32, #tpu.memory_space<vmem>> -> memref<96x32xf32, #tpu.memory_space<vmem>>
    %dma_start3A_16 = arith.constant 104 : i32
    %dma_start3A_17 = tpu.memref_slice %arg5[%dma_start3A_12, %dma_start3A_16] : memref<128x200xi32, #tpu.memory_space<vmem>> -> memref<1x96xi32, #tpu.memory_space<vmem>>
    %dma_start3A_18 = tpu.memref_squeeze %dma_start3A_17 : memref<1x96xi32, #tpu.memory_space<vmem>> -> memref<96xi32, #tpu.memory_space<vmem>>
    %dma_start3A_19 = arith.constant 0 : i32
    %dma_start3A_20 = arith.constant 0 : i32
    %dma_start3A_21 = tpu.memref_slice %arg3[%dma_start3A_19, %dma_start3A_20] : memref<1000000x32xf32, #tpu.memory_space<hbm>> -> memref<1000000x32xf32, #tpu.memory_space<hbm>>
    tpu.enqueue_indirect_dma source(%dma_start3A_21 : memref<1000000x32xf32, #tpu.memory_space<hbm>>) target(%dma_start3A_15 : memref<96x32xf32, #tpu.memory_space<vmem>>) offsets(%dma_start3A_18 : memref<96xi32, #tpu.memory_space<vmem>>) semaphore(%arg11 : memref<!tpu.dma_semaphore, #tpu.memory_space<semaphore_mem>>)
    %dma_start3A_22 = arith.constant 1 : i32
    %dma_start3A_23 = arith.constant 0 : i32
    %dma_start3A_24 = arith.constant 0 : i32
    %dma_start3A_25 = tpu.memref_slice %arg7[%dma_start3A_23, %dma_start3A_24] : memref<200x32xf32, #tpu.memory_space<vmem>> -> memref<104x32xf32, #tpu.memory_space<vmem>>
    %dma_start3A_26 = arith.constant 0 : i32
    %dma_start3A_27 = tpu.memref_slice %arg5[%dma_start3A_22, %dma_start3A_26] : memref<128x200xi32, #tpu.memory_space<vmem>> -> memref<1x104xi32, #tpu.memory_space<vmem>>
    %dma_start3A_28 = tpu.memref_squeeze %dma_start3A_27 : memref<1x104xi32, #tpu.memory_space<vmem>> -> memref<104xi32, #tpu.memory_space<vmem>>
    %dma_start3A_29 = arith.constant 0 : i32
    %dma_start3A_30 = arith.constant 0 : i32
    %dma_start3A_31 = tpu.memref_slice %arg3[%dma_start3A_29, %dma_start3A_30] : memref<1000000x32xf32, #tpu.memory_space<hbm>> -> memref<1000000x32xf32, #tpu.memory_space<hbm>>
    tpu.enqueue_indirect_dma source(%dma_start3A_31 : memref<1000000x32xf32, #tpu.memory_space<hbm>>) target(%dma_start3A_25 : memref<104x32xf32, #tpu.memory_space<vmem>>) offsets(%dma_start3A_28 : memref<104xi32, #tpu.memory_space<vmem>>) semaphore(%arg12 : memref<!tpu.dma_semaphore, #tpu.memory_space<semaphore_mem>>)
    %dma_start3A_32 = arith.constant 1 : i32
    %dma_start3A_33 = arith.constant 104 : i32
    %dma_start3A_34 = arith.constant 0 : i32
    %dma_start3A_35 = tpu.memref_slice %arg7[%dma_start3A_33, %dma_start3A_34] : memref<200x32xf32, #tpu.memory_space<vmem>> -> memref<96x32xf32, #tpu.memory_space<vmem>>
    %dma_start3A_36 = arith.constant 104 : i32
    %dma_start3A_37 = tpu.memref_slice %arg5[%dma_start3A_32, %dma_start3A_36] : memref<128x200xi32, #tpu.memory_space<vmem>> -> memref<1x96xi32, #tpu.memory_space<vmem>>
    %dma_start3A_38 = tpu.memref_squeeze %dma_start3A_37 : memref<1x96xi32, #tpu.memory_space<vmem>> -> memref<96xi32, #tpu.memory_space<vmem>>
    %dma_start3A_39 = arith.constant 0 : i32
    %dma_start3A_40 = arith.constant 0 : i32
    %dma_start3A_41 = tpu.memref_slice %arg3[%dma_start3A_39, %dma_start3A_40] : memref<1000000x32xf32, #tpu.memory_space<hbm>> -> memref<1000000x32xf32, #tpu.memory_space<hbm>>
    tpu.enqueue_indirect_dma source(%dma_start3A_41 : memref<1000000x32xf32, #tpu.memory_space<hbm>>) target(%dma_start3A_35 : memref<96x32xf32, #tpu.memory_space<vmem>>) offsets(%dma_start3A_38 : memref<96xi32, #tpu.memory_space<vmem>>) semaphore(%arg12 : memref<!tpu.dma_semaphore, #tpu.memory_space<semaphore_mem>>)
    %dma_start3A_42 = arith.constant 2 : i32
    %dma_start3A_43 = arith.constant 0 : i32
    %dma_start3A_44 = arith.constant 0 : i32
    %dma_start3A_45 = tpu.memref_slice %arg8[%dma_start3A_43, %dma_start3A_44] : memref<200x32xf32, #tpu.memory_space<vmem>> -> memref<104x32xf32, #tpu.memory_space<vmem>>
    %dma_start3A_46 = arith.constant 0 : i32
    %dma_start3A_47 = tpu.memref_slice %arg5[%dma_start3A_42, %dma_start3A_46] : memref<128x200xi32, #tpu.memory_space<vmem>> -> memref<1x104xi32, #tpu.memory_space<vmem>>
    %dma_start3A_48 = tpu.memref_squeeze %dma_start3A_47 : memref<1x104xi32, #tpu.memory_space<vmem>> -> memref<104xi32, #tpu.memory_space<vmem>>
    %dma_start3A_49 = arith.constant 0 : i32
    %dma_start3A_50 = arith.constant 0 : i32
    %dma_start3A_51 = tpu.memref_slice %arg3[%dma_start3A_49, %dma_start3A_50] : memref<1000000x32xf32, #tpu.memory_space<hbm>> -> memref<1000000x32xf32, #tpu.memory_space<hbm>>
    tpu.enqueue_indirect_dma source(%dma_start3A_51 : memref<1000000x32xf32, #tpu.memory_space<hbm>>) target(%dma_start3A_45 : memref<104x32xf32, #tpu.memory_space<vmem>>) offsets(%dma_start3A_48 : memref<104xi32, #tpu.memory_space<vmem>>) semaphore(%arg13 : memref<!tpu.dma_semaphore, #tpu.memory_space<semaphore_mem>>)
    %dma_start3A_52 = arith.constant 2 : i32
    %dma_start3A_53 = arith.constant 104 : i32
    %dma_start3A_54 = arith.constant 0 : i32
    %dma_start3A_55 = tpu.memref_slice %arg8[%dma_start3A_53, %dma_start3A_54] : memref<200x32xf32, #tpu.memory_space<vmem>> -> memref<96x32xf32, #tpu.memory_space<vmem>>
    %dma_start3A_56 = arith.constant 104 : i32
    %dma_start3A_57 = tpu.memref_slice %arg5[%dma_start3A_52, %dma_start3A_56] : memref<128x200xi32, #tpu.memory_space<vmem>> -> memref<1x96xi32, #tpu.memory_space<vmem>>
    %dma_start3A_58 = tpu.memref_squeeze %dma_start3A_57 : memref<1x96xi32, #tpu.memory_space<vmem>> -> memref<96xi32, #tpu.memory_space<vmem>>
    %dma_start3A_59 = arith.constant 0 : i32
    %dma_start3A_60 = arith.constant 0 : i32
    %dma_start3A_61 = tpu.memref_slice %arg3[%dma_start3A_59, %dma_start3A_60] : memref<1000000x32xf32, #tpu.memory_space<hbm>> -> memref<1000000x32xf32, #tpu.memory_space<hbm>>
    tpu.enqueue_indirect_dma source(%dma_start3A_61 : memref<1000000x32xf32, #tpu.memory_space<hbm>>) target(%dma_start3A_55 : memref<96x32xf32, #tpu.memory_space<vmem>>) offsets(%dma_start3A_58 : memref<96xi32, #tpu.memory_space<vmem>>) semaphore(%arg13 : memref<!tpu.dma_semaphore, #tpu.memory_space<semaphore_mem>>)
    %dma_start3A_62 = arith.constant 3 : i32
    %dma_start3A_63 = arith.constant 0 : i32
    %dma_start3A_64 = arith.constant 0 : i32
    %dma_start3A_65 = tpu.memref_slice %arg9[%dma_start3A_63, %dma_start3A_64] : memref<200x32xf32, #tpu.memory_space<vmem>> -> memref<104x32xf32, #tpu.memory_space<vmem>>
    %dma_start3A_66 = arith.constant 0 : i32
    %dma_start3A_67 = tpu.memref_slice %arg5[%dma_start3A_62, %dma_start3A_66] : memref<128x200xi32, #tpu.memory_space<vmem>> -> memref<1x104xi32, #tpu.memory_space<vmem>>
    %dma_start3A_68 = tpu.memref_squeeze %dma_start3A_67 : memref<1x104xi32, #tpu.memory_space<vmem>> -> memref<104xi32, #tpu.memory_space<vmem>>
    %dma_start3A_69 = arith.constant 0 : i32
    %dma_start3A_70 = arith.constant 0 : i32
    %dma_start3A_71 = tpu.memref_slice %arg3[%dma_start3A_69, %dma_start3A_70] : memref<1000000x32xf32, #tpu.memory_space<hbm>> -> memref<1000000x32xf32, #tpu.memory_space<hbm>>
    tpu.enqueue_indirect_dma source(%dma_start3A_71 : memref<1000000x32xf32, #tpu.memory_space<hbm>>) target(%dma_start3A_65 : memref<104x32xf32, #tpu.memory_space<vmem>>) offsets(%dma_start3A_68 : memref<104xi32, #tpu.memory_space<vmem>>) semaphore(%arg14 : memref<!tpu.dma_semaphore, #tpu.memory_space<semaphore_mem>>)
    %dma_start3A_72 = arith.constant 3 : i32
    %dma_start3A_73 = arith.constant 104 : i32
    %dma_start3A_74 = arith.constant 0 : i32
    %dma_start3A_75 = tpu.memref_slice %arg9[%dma_start3A_73, %dma_start3A_74] : memref<200x32xf32, #tpu.memory_space<vmem>> -> memref<96x32xf32, #tpu.memory_space<vmem>>
    %dma_start3A_76 = arith.constant 104 : i32
    %dma_start3A_77 = tpu.memref_slice %arg5[%dma_start3A_72, %dma_start3A_76] : memref<128x200xi32, #tpu.memory_space<vmem>> -> memref<1x96xi32, #tpu.memory_space<vmem>>
    %dma_start3A_78 = tpu.memref_squeeze %dma_start3A_77 : memref<1x96xi32, #tpu.memory_space<vmem>> -> memref<96xi32, #tpu.memory_space<vmem>>
    %dma_start3A_79 = arith.constant 0 : i32
    %dma_start3A_80 = arith.constant 0 : i32
    %dma_start3A_81 = tpu.memref_slice %arg3[%dma_start3A_79, %dma_start3A_80] : memref<1000000x32xf32, #tpu.memory_space<hbm>> -> memref<1000000x32xf32, #tpu.memory_space<hbm>>
    tpu.enqueue_indirect_dma source(%dma_start3A_81 : memref<1000000x32xf32, #tpu.memory_space<hbm>>) target(%dma_start3A_75 : memref<96x32xf32, #tpu.memory_space<vmem>>) offsets(%dma_start3A_78 : memref<96xi32, #tpu.memory_space<vmem>>) semaphore(%arg14 : memref<!tpu.dma_semaphore, #tpu.memory_space<semaphore_mem>>)
    %scan3A = arith.constant 0 : i32
    %scan3A_82 = arith.constant 0 : i32
    %scan3A_83 = arith.constant 32 : i32
    %scan3A_84 = arith.addi %scan3A_82, %scan3A_83 : i32
    %scan3A_85 = arith.constant 1 : i32
    scf.for %scan3A_88 = %scan3A_82 to %scan3A_84 step %scan3A_85  : i32 {
      %mul3A_89 = arith.constant 4 : i32
      %mul3A_90 = arith.muli %scan3A_88, %mul3A_89 : i32
      %add3A_91 = arith.constant 0 : i32
      %add3A_92 = arith.addi %mul3A_90, %add3A_91 : i32
      %dma_wait3A = arith.constant 0 : i32
      %dma_wait3A_93 = arith.constant 0 : i32
      %dma_wait3A_94 = arith.constant 0 : i32
      %dma_wait3A_95 = tpu.memref_slice %arg6[%dma_wait3A_93, %dma_wait3A_94] : memref<200x32xf32, #tpu.memory_space<vmem>> -> memref<104x32xf32, #tpu.memory_space<vmem>>
      %dma_wait3A_96 = arith.constant 0 : i32
      %dma_wait3A_97 = tpu.memref_slice %arg5[%dma_wait3A, %dma_wait3A_96] : memref<128x200xi32, #tpu.memory_space<vmem>> -> memref<1x104xi32, #tpu.memory_space<vmem>>
      %dma_wait3A_98 = tpu.memref_squeeze %dma_wait3A_97 : memref<1x104xi32, #tpu.memory_space<vmem>> -> memref<104xi32, #tpu.memory_space<vmem>>
      %dma_wait3A_99 = arith.constant 0 : i32
      %dma_wait3A_100 = arith.constant 0 : i32
      %dma_wait3A_101 = tpu.memref_slice %arg3[%dma_wait3A_99, %dma_wait3A_100] : memref<1000000x32xf32, #tpu.memory_space<hbm>> -> memref<1000000x32xf32, #tpu.memory_space<hbm>>
      tpu.wait_indirect_dma semaphore(%arg11 : memref<!tpu.dma_semaphore, #tpu.memory_space<semaphore_mem>>) src(%dma_wait3A_101 : memref<1000000x32xf32, #tpu.memory_space<hbm>>) dst(%dma_wait3A_95 : memref<104x32xf32, #tpu.memory_space<vmem>>)
      %dma_wait3A_102 = arith.constant 0 : i32
      %dma_wait3A_103 = arith.constant 104 : i32
      %dma_wait3A_104 = arith.constant 0 : i32
      %dma_wait3A_105 = tpu.memref_slice %arg6[%dma_wait3A_103, %dma_wait3A_104] : memref<200x32xf32, #tpu.memory_space<vmem>> -> memref<96x32xf32, #tpu.memory_space<vmem>>
      %dma_wait3A_106 = arith.constant 104 : i32
      %dma_wait3A_107 = tpu.memref_slice %arg5[%dma_wait3A_102, %dma_wait3A_106] : memref<128x200xi32, #tpu.memory_space<vmem>> -> memref<1x96xi32, #tpu.memory_space<vmem>>
      %dma_wait3A_108 = tpu.memref_squeeze %dma_wait3A_107 : memref<1x96xi32, #tpu.memory_space<vmem>> -> memref<96xi32, #tpu.memory_space<vmem>>
      %dma_wait3A_109 = arith.constant 0 : i32
      %dma_wait3A_110 = arith.constant 0 : i32
      %dma_wait3A_111 = tpu.memref_slice %arg3[%dma_wait3A_109, %dma_wait3A_110] : memref<1000000x32xf32, #tpu.memory_space<hbm>> -> memref<1000000x32xf32, #tpu.memory_space<hbm>>
      tpu.wait_indirect_dma semaphore(%arg11 : memref<!tpu.dma_semaphore, #tpu.memory_space<semaphore_mem>>) src(%dma_wait3A_111 : memref<1000000x32xf32, #tpu.memory_space<hbm>>) dst(%dma_wait3A_105 : memref<96x32xf32, #tpu.memory_space<vmem>>)
      %broadcast_in_dim3A = arith.constant 0.000000e+00 : f32
      %broadcast_in_dim3A_112 = vector.broadcast %broadcast_in_dim3A : f32 to vector<16xf32>
      %scan3A_113 = arith.constant 0 : i32
      %scan3A_114 = arith.constant 25 : i32
      %scan3A_115 = arith.addi %scan3A_113, %scan3A_114 : i32
      %scan3A_116 = arith.constant 1 : i32
      %scan3A_117:4 = scf.for %scan3A_305 = %scan3A_113 to %scan3A_115 step %scan3A_116 iter_args(%scan3A_306 = %broadcast_in_dim3A_112, %scan3A_307 = %broadcast_in_dim3A_112, %scan3A_308 = %broadcast_in_dim3A_112, %scan3A_309 = %broadcast_in_dim3A_112) -> (vector<16xf32>, vector<16xf32>, vector<16xf32>, vector<16xf32>)  : i32 {
        %mul3A_310 = arith.constant 8 : i32
        %mul3A_311 = arith.muli %scan3A_305, %mul3A_310 : i32
        %add3A_312 = arith.constant 0 : i32
        %add3A_313 = arith.addi %mul3A_311, %add3A_312 : i32
        %get3A = arith.index_cast %add3A_313 : i32 to index
        %get3A_314 = arith.constant 0 : index
        %get3A_315 = tpu.vector_load %arg6[%get3A, %get3A_314] {strides = array<i32>} : memref<200x32xf32, #tpu.memory_space<vmem>>, vector<1x16xf32>,
        %get3A_316 = vector.shape_cast %get3A_315 : vector<1x16xf32> to vector<16xf32>
        %add3A_317 = arith.addf %scan3A_306, %get3A_316 : vector<16xf32>
        %get3A_318 = arith.index_cast %add3A_313 : i32 to index
        %get3A_319 = arith.constant 16 : index
        %get3A_320 = tpu.vector_load %arg6[%get3A_318, %get3A_319] {strides = array<i32>} : memref<200x32xf32, #tpu.memory_space<vmem>>, vector<1x16xf32>,
        %get3A_321 = vector.shape_cast %get3A_320 : vector<1x16xf32> to vector<16xf32>
        %add3A_322 = arith.addf %scan3A_308, %get3A_321 : vector<16xf32>
        %add3A_323 = arith.constant 1 : i32
        %add3A_324 = arith.addi %mul3A_311, %add3A_323 : i32
        %get3A_325 = arith.index_cast %add3A_324 : i32 to index
        %get3A_326 = arith.constant 0 : index
        %get3A_327 = tpu.vector_load %arg6[%get3A_325, %get3A_326] {strides = array<i32>} : memref<200x32xf32, #tpu.memory_space<vmem>>, vector<1x16xf32>,
        %get3A_328 = vector.shape_cast %get3A_327 : vector<1x16xf32> to vector<16xf32>
        %add3A_329 = arith.addf %scan3A_307, %get3A_328 : vector<16xf32>
        %get3A_330 = arith.index_cast %add3A_324 : i32 to index
        %get3A_331 = arith.constant 16 : index
        %get3A_332 = tpu.vector_load %arg6[%get3A_330, %get3A_331] {strides = array<i32>} : memref<200x32xf32, #tpu.memory_space<vmem>>, vector<1x16xf32>,
        %get3A_333 = vector.shape_cast %get3A_332 : vector<1x16xf32> to vector<16xf32>
        %add3A_334 = arith.addf %scan3A_309, %get3A_333 : vector<16xf32>
        %add3A_335 = arith.constant 2 : i32
        %add3A_336 = arith.addi %mul3A_311, %add3A_335 : i32
        %get3A_337 = arith.index_cast %add3A_336 : i32 to index
        %get3A_338 = arith.constant 0 : index
        %get3A_339 = tpu.vector_load %arg6[%get3A_337, %get3A_338] {strides = array<i32>} : memref<200x32xf32, #tpu.memory_space<vmem>>, vector<1x16xf32>,
        %get3A_340 = vector.shape_cast %get3A_339 : vector<1x16xf32> to vector<16xf32>
        %add3A_341 = arith.addf %add3A_317, %get3A_340 : vector<16xf32>
        %get3A_342 = arith.index_cast %add3A_336 : i32 to index
        %get3A_343 = arith.constant 16 : index
        %get3A_344 = tpu.vector_load %arg6[%get3A_342, %get3A_343] {strides = array<i32>} : memref<200x32xf32, #tpu.memory_space<vmem>>, vector<1x16xf32>,
        %get3A_345 = vector.shape_cast %get3A_344 : vector<1x16xf32> to vector<16xf32>
        %add3A_346 = arith.addf %add3A_322, %get3A_345 : vector<16xf32>
        %add3A_347 = arith.constant 3 : i32
        %add3A_348 = arith.addi %mul3A_311, %add3A_347 : i32
        %get3A_349 = arith.index_cast %add3A_348 : i32 to index
        %get3A_350 = arith.constant 0 : index
        %get3A_351 = tpu.vector_load %arg6[%get3A_349, %get3A_350] {strides = array<i32>} : memref<200x32xf32, #tpu.memory_space<vmem>>, vector<1x16xf32>,
        %get3A_352 = vector.shape_cast %get3A_351 : vector<1x16xf32> to vector<16xf32>
        %add3A_353 = arith.addf %add3A_329, %get3A_352 : vector<16xf32>
        %get3A_354 = arith.index_cast %add3A_348 : i32 to index
        %get3A_355 = arith.constant 16 : index
        %get3A_356 = tpu.vector_load %arg6[%get3A_354, %get3A_355] {strides = array<i32>} : memref<200x32xf32, #tpu.memory_space<vmem>>, vector<1x16xf32>,
        %get3A_357 = vector.shape_cast %get3A_356 : vector<1x16xf32> to vector<16xf32>
        %add3A_358 = arith.addf %add3A_334, %get3A_357 : vector<16xf32>
        %add3A_359 = arith.constant 4 : i32
        %add3A_360 = arith.addi %mul3A_311, %add3A_359 : i32
        %get3A_361 = arith.index_cast %add3A_360 : i32 to index
        %get3A_362 = arith.constant 0 : index
        %get3A_363 = tpu.vector_load %arg6[%get3A_361, %get3A_362] {strides = array<i32>} : memref<200x32xf32, #tpu.memory_space<vmem>>, vector<1x16xf32>,
        %get3A_364 = vector.shape_cast %get3A_363 : vector<1x16xf32> to vector<16xf32>
        %add3A_365 = arith.addf %add3A_341, %get3A_364 : vector<16xf32>
        %get3A_366 = arith.index_cast %add3A_360 : i32 to index
        %get3A_367 = arith.constant 16 : index
        %get3A_368 = tpu.vector_load %arg6[%get3A_366, %get3A_367] {strides = array<i32>} : memref<200x32xf32, #tpu.memory_space<vmem>>, vector<1x16xf32>,
        %get3A_369 = vector.shape_cast %get3A_368 : vector<1x16xf32> to vector<16xf32>
        %add3A_370 = arith.addf %add3A_346, %get3A_369 : vector<16xf32>
        %add3A_371 = arith.constant 5 : i32
        %add3A_372 = arith.addi %mul3A_311, %add3A_371 : i32
        %get3A_373 = arith.index_cast %add3A_372 : i32 to index
        %get3A_374 = arith.constant 0 : index
        %get3A_375 = tpu.vector_load %arg6[%get3A_373, %get3A_374] {strides = array<i32>} : memref<200x32xf32, #tpu.memory_space<vmem>>, vector<1x16xf32>,
        %get3A_376 = vector.shape_cast %get3A_375 : vector<1x16xf32> to vector<16xf32>
        %add3A_377 = arith.addf %add3A_353, %get3A_376 : vector<16xf32>
        %get3A_378 = arith.index_cast %add3A_372 : i32 to index
        %get3A_379 = arith.constant 16 : index
        %get3A_380 = tpu.vector_load %arg6[%get3A_378, %get3A_379] {strides = array<i32>} : memref<200x32xf32, #tpu.memory_space<vmem>>, vector<1x16xf32>,
        %get3A_381 = vector.shape_cast %get3A_380 : vector<1x16xf32> to vector<16xf32>
        %add3A_382 = arith.addf %add3A_358, %get3A_381 : vector<16xf32>
        %add3A_383 = arith.constant 6 : i32
        %add3A_384 = arith.addi %mul3A_311, %add3A_383 : i32
        %get3A_385 = arith.index_cast %add3A_384 : i32 to index
        %get3A_386 = arith.constant 0 : index
        %get3A_387 = tpu.vector_load %arg6[%get3A_385, %get3A_386] {strides = array<i32>} : memref<200x32xf32, #tpu.memory_space<vmem>>, vector<1x16xf32>,
        %get3A_388 = vector.shape_cast %get3A_387 : vector<1x16xf32> to vector<16xf32>
        %add3A_389 = arith.addf %add3A_365, %get3A_388 : vector<16xf32>
        %get3A_390 = arith.index_cast %add3A_384 : i32 to index
        %get3A_391 = arith.constant 16 : index
        %get3A_392 = tpu.vector_load %arg6[%get3A_390, %get3A_391] {strides = array<i32>} : memref<200x32xf32, #tpu.memory_space<vmem>>, vector<1x16xf32>,
        %get3A_393 = vector.shape_cast %get3A_392 : vector<1x16xf32> to vector<16xf32>
        %add3A_394 = arith.addf %add3A_370, %get3A_393 : vector<16xf32>
        %add3A_395 = arith.constant 7 : i32
        %add3A_396 = arith.addi %mul3A_311, %add3A_395 : i32
        %get3A_397 = arith.index_cast %add3A_396 : i32 to index
        %get3A_398 = arith.constant 0 : index
        %get3A_399 = tpu.vector_load %arg6[%get3A_397, %get3A_398] {strides = array<i32>} : memref<200x32xf32, #tpu.memory_space<vmem>>, vector<1x16xf32>,
        %get3A_400 = vector.shape_cast %get3A_399 : vector<1x16xf32> to vector<16xf32>
        %add3A_401 = arith.addf %add3A_377, %get3A_400 : vector<16xf32>
        %get3A_402 = arith.index_cast %add3A_396 : i32 to index
        %get3A_403 = arith.constant 16 : index
        %get3A_404 = tpu.vector_load %arg6[%get3A_402, %get3A_403] {strides = array<i32>} : memref<200x32xf32, #tpu.memory_space<vmem>>, vector<1x16xf32>,
        %get3A_405 = vector.shape_cast %get3A_404 : vector<1x16xf32> to vector<16xf32>
        %add3A_406 = arith.addf %add3A_382, %get3A_405 : vector<16xf32>
        scf.yield %add3A_389, %add3A_401, %add3A_394, %add3A_406 : vector<16xf32>, vector<16xf32>, vector<16xf32>, vector<16xf32>
      }
      %scan3A_118 = arith.constant 25 : i32
      %add3A_119 = arith.addf %scan3A_117#0, %scan3A_117#1 : vector<16xf32>
      %mul3A_120 = arith.constant 5.000000e-03 : f32
      %mul3A_121 = vector.broadcast %mul3A_120 : f32 to vector<16xf32>
      %mul3A_122 = arith.mulf %add3A_119, %mul3A_121 : vector<16xf32>
      %add3A_123 = arith.addf %scan3A_117#2, %scan3A_117#3 : vector<16xf32>
      %mul3A_124 = arith.constant 5.000000e-03 : f32
      %mul3A_125 = vector.broadcast %mul3A_124 : f32 to vector<16xf32>
      %mul3A_126 = arith.mulf %add3A_123, %mul3A_125 : vector<16xf32>
      %swap3A = arith.index_cast %add3A_92 : i32 to index
      %swap3A_127 = arith.constant 0 : index
      %swap3A_128 = tpu.vector_load %arg10[%swap3A, %swap3A_127] {strides = array<i32>} : memref<128x32xf32, #tpu.memory_space<vmem>>, vector<1x16xf32>,
      %swap3A_129 = vector.shape_cast %swap3A_128 : vector<1x16xf32> to vector<16xf32>
      %swap3A_130 = vector.shape_cast %mul3A_122 : vector<16xf32> to vector<1x16xf32>
      tpu.vector_store %arg10[%swap3A, %swap3A_127], %swap3A_130 {strides = array<i32>} : memref<128x32xf32, #tpu.memory_space<vmem>>, vector<1x16xf32>,
      %swap3A_131 = arith.index_cast %add3A_92 : i32 to index
      %swap3A_132 = arith.constant 16 : index
      %swap3A_133 = tpu.vector_load %arg10[%swap3A_131, %swap3A_132] {strides = array<i32>} : memref<128x32xf32, #tpu.memory_space<vmem>>, vector<1x16xf32>,
      %swap3A_134 = vector.shape_cast %swap3A_133 : vector<1x16xf32> to vector<16xf32>
      %swap3A_135 = vector.shape_cast %mul3A_126 : vector<16xf32> to vector<1x16xf32>
      tpu.vector_store %arg10[%swap3A_131, %swap3A_132], %swap3A_135 {strides = array<i32>} : memref<128x32xf32, #tpu.memory_space<vmem>>, vector<1x16xf32>,
      %add3A_136 = arith.constant 4 : i32
      %add3A_137 = arith.addi %add3A_92, %add3A_136 : i32
      %lt3A = arith.constant 128 : i32
      %lt3A_138 = arith.cmpi slt, %add3A_137, %lt3A : i32
      %convert_element_type3A = arith.extui %lt3A_138 : i1 to i32
      %cond3A = arith.constant 0 : i32
      %cond3A_139 = arith.cmpi ne, %convert_element_type3A, %cond3A : i32
      scf.if %cond3A_139 {
        %dma_start3A_305 = arith.constant 0 : i32
        %dma_start3A_306 = arith.constant 0 : i32
        %dma_start3A_307 = tpu.memref_slice %arg6[%dma_start3A_305, %dma_start3A_306] : memref<200x32xf32, #tpu.memory_space<vmem>> -> memref<104x32xf32, #tpu.memory_space<vmem>>
        %dma_start3A_308 = arith.constant 0 : i32
        %dma_start3A_309 = tpu.memref_slice %arg5[%add3A_137, %dma_start3A_308] : memref<128x200xi32, #tpu.memory_space<vmem>> -> memref<1x104xi32, #tpu.memory_space<vmem>>
        %dma_start3A_310 = tpu.memref_squeeze %dma_start3A_309 : memref<1x104xi32, #tpu.memory_space<vmem>> -> memref<104xi32, #tpu.memory_space<vmem>>
        %dma_start3A_311 = arith.constant 0 : i32
        %dma_start3A_312 = arith.constant 0 : i32
        %dma_start3A_313 = tpu.memref_slice %arg3[%dma_start3A_311, %dma_start3A_312] : memref<1000000x32xf32, #tpu.memory_space<hbm>> -> memref<1000000x32xf32, #tpu.memory_space<hbm>>
        tpu.enqueue_indirect_dma source(%dma_start3A_313 : memref<1000000x32xf32, #tpu.memory_space<hbm>>) target(%dma_start3A_307 : memref<104x32xf32, #tpu.memory_space<vmem>>) offsets(%dma_start3A_310 : memref<104xi32, #tpu.memory_space<vmem>>) semaphore(%arg11 : memref<!tpu.dma_semaphore, #tpu.memory_space<semaphore_mem>>)
        %dma_start3A_314 = arith.constant 104 : i32
        %dma_start3A_315 = arith.constant 0 : i32
        %dma_start3A_316 = tpu.memref_slice %arg6[%dma_start3A_314, %dma_start3A_315] : memref<200x32xf32, #tpu.memory_space<vmem>> -> memref<96x32xf32, #tpu.memory_space<vmem>>
        %dma_start3A_317 = arith.constant 104 : i32
        %dma_start3A_318 = tpu.memref_slice %arg5[%add3A_137, %dma_start3A_317] : memref<128x200xi32, #tpu.memory_space<vmem>> -> memref<1x96xi32, #tpu.memory_space<vmem>>
        %dma_start3A_319 = tpu.memref_squeeze %dma_start3A_318 : memref<1x96xi32, #tpu.memory_space<vmem>> -> memref<96xi32, #tpu.memory_space<vmem>>
        %dma_start3A_320 = arith.constant 0 : i32
        %dma_start3A_321 = arith.constant 0 : i32
        %dma_start3A_322 = tpu.memref_slice %arg3[%dma_start3A_320, %dma_start3A_321] : memref<1000000x32xf32, #tpu.memory_space<hbm>> -> memref<1000000x32xf32, #tpu.memory_space<hbm>>
        tpu.enqueue_indirect_dma source(%dma_start3A_322 : memref<1000000x32xf32, #tpu.memory_space<hbm>>) target(%dma_start3A_316 : memref<96x32xf32, #tpu.memory_space<vmem>>) offsets(%dma_start3A_319 : memref<96xi32, #tpu.memory_space<vmem>>) semaphore(%arg11 : memref<!tpu.dma_semaphore, #tpu.memory_space<semaphore_mem>>)
      } else {
      }
      %add3A_140 = arith.constant 1 : i32
      %add3A_141 = arith.addi %mul3A_90, %add3A_140 : i32
      %dma_wait3A_142 = arith.constant 0 : i32
      %dma_wait3A_143 = arith.constant 0 : i32
      %dma_wait3A_144 = arith.constant 0 : i32
      %dma_wait3A_145 = tpu.memref_slice %arg7[%dma_wait3A_143, %dma_wait3A_144] : memref<200x32xf32, #tpu.memory_space<vmem>> -> memref<104x32xf32, #tpu.memory_space<vmem>>
      %dma_wait3A_146 = arith.constant 0 : i32
      %dma_wait3A_147 = tpu.memref_slice %arg5[%dma_wait3A_142, %dma_wait3A_146] : memref<128x200xi32, #tpu.memory_space<vmem>> -> memref<1x104xi32, #tpu.memory_space<vmem>>
      %dma_wait3A_148 = tpu.memref_squeeze %dma_wait3A_147 : memref<1x104xi32, #tpu.memory_space<vmem>> -> memref<104xi32, #tpu.memory_space<vmem>>
      %dma_wait3A_149 = arith.constant 0 : i32
      %dma_wait3A_150 = arith.constant 0 : i32
      %dma_wait3A_151 = tpu.memref_slice %arg3[%dma_wait3A_149, %dma_wait3A_150] : memref<1000000x32xf32, #tpu.memory_space<hbm>> -> memref<1000000x32xf32, #tpu.memory_space<hbm>>
      tpu.wait_indirect_dma semaphore(%arg12 : memref<!tpu.dma_semaphore, #tpu.memory_space<semaphore_mem>>) src(%dma_wait3A_151 : memref<1000000x32xf32, #tpu.memory_space<hbm>>) dst(%dma_wait3A_145 : memref<104x32xf32, #tpu.memory_space<vmem>>)
      %dma_wait3A_152 = arith.constant 0 : i32
      %dma_wait3A_153 = arith.constant 104 : i32
      %dma_wait3A_154 = arith.constant 0 : i32
      %dma_wait3A_155 = tpu.memref_slice %arg7[%dma_wait3A_153, %dma_wait3A_154] : memref<200x32xf32, #tpu.memory_space<vmem>> -> memref<96x32xf32, #tpu.memory_space<vmem>>
      %dma_wait3A_156 = arith.constant 104 : i32
      %dma_wait3A_157 = tpu.memref_slice %arg5[%dma_wait3A_152, %dma_wait3A_156] : memref<128x200xi32, #tpu.memory_space<vmem>> -> memref<1x96xi32, #tpu.memory_space<vmem>>
      %dma_wait3A_158 = tpu.memref_squeeze %dma_wait3A_157 : memref<1x96xi32, #tpu.memory_space<vmem>> -> memref<96xi32, #tpu.memory_space<vmem>>
      %dma_wait3A_159 = arith.constant 0 : i32
      %dma_wait3A_160 = arith.constant 0 : i32
      %dma_wait3A_161 = tpu.memref_slice %arg3[%dma_wait3A_159, %dma_wait3A_160] : memref<1000000x32xf32, #tpu.memory_space<hbm>> -> memref<1000000x32xf32, #tpu.memory_space<hbm>>
      tpu.wait_indirect_dma semaphore(%arg12 : memref<!tpu.dma_semaphore, #tpu.memory_space<semaphore_mem>>) src(%dma_wait3A_161 : memref<1000000x32xf32, #tpu.memory_space<hbm>>) dst(%dma_wait3A_155 : memref<96x32xf32, #tpu.memory_space<vmem>>)
      %broadcast_in_dim3A_162 = arith.constant 0.000000e+00 : f32
      %broadcast_in_dim3A_163 = vector.broadcast %broadcast_in_dim3A_162 : f32 to vector<16xf32>
      %scan3A_164 = arith.constant 0 : i32
      %scan3A_165 = arith.constant 25 : i32
      %scan3A_166 = arith.addi %scan3A_164, %scan3A_165 : i32
      %scan3A_167 = arith.constant 1 : i32
      %scan3A_168:4 = scf.for %scan3A_305 = %scan3A_164 to %scan3A_166 step %scan3A_167 iter_args(%scan3A_306 = %broadcast_in_dim3A_163, %scan3A_307 = %broadcast_in_dim3A_163, %scan3A_308 = %broadcast_in_dim3A_163, %scan3A_309 = %broadcast_in_dim3A_163) -> (vector<16xf32>, vector<16xf32>, vector<16xf32>, vector<16xf32>)  : i32 {
        %mul3A_310 = arith.constant 8 : i32
        %mul3A_311 = arith.muli %scan3A_305, %mul3A_310 : i32
        %add3A_312 = arith.constant 0 : i32
        %add3A_313 = arith.addi %mul3A_311, %add3A_312 : i32
        %get3A = arith.index_cast %add3A_313 : i32 to index
        %get3A_314 = arith.constant 0 : index
        %get3A_315 = tpu.vector_load %arg7[%get3A, %get3A_314] {strides = array<i32>} : memref<200x32xf32, #tpu.memory_space<vmem>>, vector<1x16xf32>,
        %get3A_316 = vector.shape_cast %get3A_315 : vector<1x16xf32> to vector<16xf32>
        %add3A_317 = arith.addf %scan3A_306, %get3A_316 : vector<16xf32>
        %get3A_318 = arith.index_cast %add3A_313 : i32 to index
        %get3A_319 = arith.constant 16 : index
        %get3A_320 = tpu.vector_load %arg7[%get3A_318, %get3A_319] {strides = array<i32>} : memref<200x32xf32, #tpu.memory_space<vmem>>, vector<1x16xf32>,
        %get3A_321 = vector.shape_cast %get3A_320 : vector<1x16xf32> to vector<16xf32>
        %add3A_322 = arith.addf %scan3A_308, %get3A_321 : vector<16xf32>
        %add3A_323 = arith.constant 1 : i32
        %add3A_324 = arith.addi %mul3A_311, %add3A_323 : i32
        %get3A_325 = arith.index_cast %add3A_324 : i32 to index
        %get3A_326 = arith.constant 0 : index
        %get3A_327 = tpu.vector_load %arg7[%get3A_325, %get3A_326] {strides = array<i32>} : memref<200x32xf32, #tpu.memory_space<vmem>>, vector<1x16xf32>,
        %get3A_328 = vector.shape_cast %get3A_327 : vector<1x16xf32> to vector<16xf32>
        %add3A_329 = arith.addf %scan3A_307, %get3A_328 : vector<16xf32>
        %get3A_330 = arith.index_cast %add3A_324 : i32 to index
        %get3A_331 = arith.constant 16 : index
        %get3A_332 = tpu.vector_load %arg7[%get3A_330, %get3A_331] {strides = array<i32>} : memref<200x32xf32, #tpu.memory_space<vmem>>, vector<1x16xf32>,
        %get3A_333 = vector.shape_cast %get3A_332 : vector<1x16xf32> to vector<16xf32>
        %add3A_334 = arith.addf %scan3A_309, %get3A_333 : vector<16xf32>
        %add3A_335 = arith.constant 2 : i32
        %add3A_336 = arith.addi %mul3A_311, %add3A_335 : i32
        %get3A_337 = arith.index_cast %add3A_336 : i32 to index
        %get3A_338 = arith.constant 0 : index
        %get3A_339 = tpu.vector_load %arg7[%get3A_337, %get3A_338] {strides = array<i32>} : memref<200x32xf32, #tpu.memory_space<vmem>>, vector<1x16xf32>,
        %get3A_340 = vector.shape_cast %get3A_339 : vector<1x16xf32> to vector<16xf32>
        %add3A_341 = arith.addf %add3A_317, %get3A_340 : vector<16xf32>
        %get3A_342 = arith.index_cast %add3A_336 : i32 to index
        %get3A_343 = arith.constant 16 : index
        %get3A_344 = tpu.vector_load %arg7[%get3A_342, %get3A_343] {strides = array<i32>} : memref<200x32xf32, #tpu.memory_space<vmem>>, vector<1x16xf32>,
        %get3A_345 = vector.shape_cast %get3A_344 : vector<1x16xf32> to vector<16xf32>
        %add3A_346 = arith.addf %add3A_322, %get3A_345 : vector<16xf32>
        %add3A_347 = arith.constant 3 : i32
        %add3A_348 = arith.addi %mul3A_311, %add3A_347 : i32
        %get3A_349 = arith.index_cast %add3A_348 : i32 to index
        %get3A_350 = arith.constant 0 : index
        %get3A_351 = tpu.vector_load %arg7[%get3A_349, %get3A_350] {strides = array<i32>} : memref<200x32xf32, #tpu.memory_space<vmem>>, vector<1x16xf32>,
        %get3A_352 = vector.shape_cast %get3A_351 : vector<1x16xf32> to vector<16xf32>
        %add3A_353 = arith.addf %add3A_329, %get3A_352 : vector<16xf32>
        %get3A_354 = arith.index_cast %add3A_348 : i32 to index
        %get3A_355 = arith.constant 16 : index
        %get3A_356 = tpu.vector_load %arg7[%get3A_354, %get3A_355] {strides = array<i32>} : memref<200x32xf32, #tpu.memory_space<vmem>>, vector<1x16xf32>,
        %get3A_357 = vector.shape_cast %get3A_356 : vector<1x16xf32> to vector<16xf32>
        %add3A_358 = arith.addf %add3A_334, %get3A_357 : vector<16xf32>
        %add3A_359 = arith.constant 4 : i32
        %add3A_360 = arith.addi %mul3A_311, %add3A_359 : i32
        %get3A_361 = arith.index_cast %add3A_360 : i32 to index
        %get3A_362 = arith.constant 0 : index
        %get3A_363 = tpu.vector_load %arg7[%get3A_361, %get3A_362] {strides = array<i32>} : memref<200x32xf32, #tpu.memory_space<vmem>>, vector<1x16xf32>,
        %get3A_364 = vector.shape_cast %get3A_363 : vector<1x16xf32> to vector<16xf32>
        %add3A_365 = arith.addf %add3A_341, %get3A_364 : vector<16xf32>
        %get3A_366 = arith.index_cast %add3A_360 : i32 to index
        %get3A_367 = arith.constant 16 : index
        %get3A_368 = tpu.vector_load %arg7[%get3A_366, %get3A_367] {strides = array<i32>} : memref<200x32xf32, #tpu.memory_space<vmem>>, vector<1x16xf32>,
        %get3A_369 = vector.shape_cast %get3A_368 : vector<1x16xf32> to vector<16xf32>
        %add3A_370 = arith.addf %add3A_346, %get3A_369 : vector<16xf32>
        %add3A_371 = arith.constant 5 : i32
        %add3A_372 = arith.addi %mul3A_311, %add3A_371 : i32
        %get3A_373 = arith.index_cast %add3A_372 : i32 to index
        %get3A_374 = arith.constant 0 : index
        %get3A_375 = tpu.vector_load %arg7[%get3A_373, %get3A_374] {strides = array<i32>} : memref<200x32xf32, #tpu.memory_space<vmem>>, vector<1x16xf32>,
        %get3A_376 = vector.shape_cast %get3A_375 : vector<1x16xf32> to vector<16xf32>
        %add3A_377 = arith.addf %add3A_353, %get3A_376 : vector<16xf32>
        %get3A_378 = arith.index_cast %add3A_372 : i32 to index
        %get3A_379 = arith.constant 16 : index
        %get3A_380 = tpu.vector_load %arg7[%get3A_378, %get3A_379] {strides = array<i32>} : memref<200x32xf32, #tpu.memory_space<vmem>>, vector<1x16xf32>,
        %get3A_381 = vector.shape_cast %get3A_380 : vector<1x16xf32> to vector<16xf32>
        %add3A_382 = arith.addf %add3A_358, %get3A_381 : vector<16xf32>
        %add3A_383 = arith.constant 6 : i32
        %add3A_384 = arith.addi %mul3A_311, %add3A_383 : i32
        %get3A_385 = arith.index_cast %add3A_384 : i32 to index
        %get3A_386 = arith.constant 0 : index
        %get3A_387 = tpu.vector_load %arg7[%get3A_385, %get3A_386] {strides = array<i32>} : memref<200x32xf32, #tpu.memory_space<vmem>>, vector<1x16xf32>,
        %get3A_388 = vector.shape_cast %get3A_387 : vector<1x16xf32> to vector<16xf32>
        %add3A_389 = arith.addf %add3A_365, %get3A_388 : vector<16xf32>
        %get3A_390 = arith.index_cast %add3A_384 : i32 to index
        %get3A_391 = arith.constant 16 : index
        %get3A_392 = tpu.vector_load %arg7[%get3A_390, %get3A_391] {strides = array<i32>} : memref<200x32xf32, #tpu.memory_space<vmem>>, vector<1x16xf32>,
        %get3A_393 = vector.shape_cast %get3A_392 : vector<1x16xf32> to vector<16xf32>
        %add3A_394 = arith.addf %add3A_370, %get3A_393 : vector<16xf32>
        %add3A_395 = arith.constant 7 : i32
        %add3A_396 = arith.addi %mul3A_311, %add3A_395 : i32
        %get3A_397 = arith.index_cast %add3A_396 : i32 to index
        %get3A_398 = arith.constant 0 : index
        %get3A_399 = tpu.vector_load %arg7[%get3A_397, %get3A_398] {strides = array<i32>} : memref<200x32xf32, #tpu.memory_space<vmem>>, vector<1x16xf32>,
        %get3A_400 = vector.shape_cast %get3A_399 : vector<1x16xf32> to vector<16xf32>
        %add3A_401 = arith.addf %add3A_377, %get3A_400 : vector<16xf32>
        %get3A_402 = arith.index_cast %add3A_396 : i32 to index
        %get3A_403 = arith.constant 16 : index
        %get3A_404 = tpu.vector_load %arg7[%get3A_402, %get3A_403] {strides = array<i32>} : memref<200x32xf32, #tpu.memory_space<vmem>>, vector<1x16xf32>,
        %get3A_405 = vector.shape_cast %get3A_404 : vector<1x16xf32> to vector<16xf32>
        %add3A_406 = arith.addf %add3A_382, %get3A_405 : vector<16xf32>
        scf.yield %add3A_389, %add3A_401, %add3A_394, %add3A_406 : vector<16xf32>, vector<16xf32>, vector<16xf32>, vector<16xf32>
      }
      %scan3A_169 = arith.constant 25 : i32
      %add3A_170 = arith.addf %scan3A_168#0, %scan3A_168#1 : vector<16xf32>
      %mul3A_171 = arith.constant 5.000000e-03 : f32
      %mul3A_172 = vector.broadcast %mul3A_171 : f32 to vector<16xf32>
      %mul3A_173 = arith.mulf %add3A_170, %mul3A_172 : vector<16xf32>
      %add3A_174 = arith.addf %scan3A_168#2, %scan3A_168#3 : vector<16xf32>
      %mul3A_175 = arith.constant 5.000000e-03 : f32
      %mul3A_176 = vector.broadcast %mul3A_175 : f32 to vector<16xf32>
      %mul3A_177 = arith.mulf %add3A_174, %mul3A_176 : vector<16xf32>
      %swap3A_178 = arith.index_cast %add3A_141 : i32 to index
      %swap3A_179 = arith.constant 0 : index
      %swap3A_180 = tpu.vector_load %arg10[%swap3A_178, %swap3A_179] {strides = array<i32>} : memref<128x32xf32, #tpu.memory_space<vmem>>, vector<1x16xf32>,
      %swap3A_181 = vector.shape_cast %swap3A_180 : vector<1x16xf32> to vector<16xf32>
      %swap3A_182 = vector.shape_cast %mul3A_173 : vector<16xf32> to vector<1x16xf32>
      tpu.vector_store %arg10[%swap3A_178, %swap3A_179], %swap3A_182 {strides = array<i32>} : memref<128x32xf32, #tpu.memory_space<vmem>>, vector<1x16xf32>,
      %swap3A_183 = arith.index_cast %add3A_141 : i32 to index
      %swap3A_184 = arith.constant 16 : index
      %swap3A_185 = tpu.vector_load %arg10[%swap3A_183, %swap3A_184] {strides = array<i32>} : memref<128x32xf32, #tpu.memory_space<vmem>>, vector<1x16xf32>,
      %swap3A_186 = vector.shape_cast %swap3A_185 : vector<1x16xf32> to vector<16xf32>
      %swap3A_187 = vector.shape_cast %mul3A_177 : vector<16xf32> to vector<1x16xf32>
      tpu.vector_store %arg10[%swap3A_183, %swap3A_184], %swap3A_187 {strides = array<i32>} : memref<128x32xf32, #tpu.memory_space<vmem>>, vector<1x16xf32>,
      %add3A_188 = arith.constant 4 : i32
      %add3A_189 = arith.addi %add3A_141, %add3A_188 : i32
      %lt3A_190 = arith.constant 128 : i32
      %lt3A_191 = arith.cmpi slt, %add3A_189, %lt3A_190 : i32
      %convert_element_type3A_192 = arith.extui %lt3A_191 : i1 to i32
      %cond3A_193 = arith.constant 0 : i32
      %cond3A_194 = arith.cmpi ne, %convert_element_type3A_192, %cond3A_193 : i32
      scf.if %cond3A_194 {
        %dma_start3A_305 = arith.constant 0 : i32
        %dma_start3A_306 = arith.constant 0 : i32
        %dma_start3A_307 = tpu.memref_slice %arg7[%dma_start3A_305, %dma_start3A_306] : memref<200x32xf32, #tpu.memory_space<vmem>> -> memref<104x32xf32, #tpu.memory_space<vmem>>
        %dma_start3A_308 = arith.constant 0 : i32
        %dma_start3A_309 = tpu.memref_slice %arg5[%add3A_189, %dma_start3A_308] : memref<128x200xi32, #tpu.memory_space<vmem>> -> memref<1x104xi32, #tpu.memory_space<vmem>>
        %dma_start3A_310 = tpu.memref_squeeze %dma_start3A_309 : memref<1x104xi32, #tpu.memory_space<vmem>> -> memref<104xi32, #tpu.memory_space<vmem>>
        %dma_start3A_311 = arith.constant 0 : i32
        %dma_start3A_312 = arith.constant 0 : i32
        %dma_start3A_313 = tpu.memref_slice %arg3[%dma_start3A_311, %dma_start3A_312] : memref<1000000x32xf32, #tpu.memory_space<hbm>> -> memref<1000000x32xf32, #tpu.memory_space<hbm>>
        tpu.enqueue_indirect_dma source(%dma_start3A_313 : memref<1000000x32xf32, #tpu.memory_space<hbm>>) target(%dma_start3A_307 : memref<104x32xf32, #tpu.memory_space<vmem>>) offsets(%dma_start3A_310 : memref<104xi32, #tpu.memory_space<vmem>>) semaphore(%arg12 : memref<!tpu.dma_semaphore, #tpu.memory_space<semaphore_mem>>)
        %dma_start3A_314 = arith.constant 104 : i32
        %dma_start3A_315 = arith.constant 0 : i32
        %dma_start3A_316 = tpu.memref_slice %arg7[%dma_start3A_314, %dma_start3A_315] : memref<200x32xf32, #tpu.memory_space<vmem>> -> memref<96x32xf32, #tpu.memory_space<vmem>>
        %dma_start3A_317 = arith.constant 104 : i32
        %dma_start3A_318 = tpu.memref_slice %arg5[%add3A_189, %dma_start3A_317] : memref<128x200xi32, #tpu.memory_space<vmem>> -> memref<1x96xi32, #tpu.memory_space<vmem>>
        %dma_start3A_319 = tpu.memref_squeeze %dma_start3A_318 : memref<1x96xi32, #tpu.memory_space<vmem>> -> memref<96xi32, #tpu.memory_space<vmem>>
        %dma_start3A_320 = arith.constant 0 : i32
        %dma_start3A_321 = arith.constant 0 : i32
        %dma_start3A_322 = tpu.memref_slice %arg3[%dma_start3A_320, %dma_start3A_321] : memref<1000000x32xf32, #tpu.memory_space<hbm>> -> memref<1000000x32xf32, #tpu.memory_space<hbm>>
        tpu.enqueue_indirect_dma source(%dma_start3A_322 : memref<1000000x32xf32, #tpu.memory_space<hbm>>) target(%dma_start3A_316 : memref<96x32xf32, #tpu.memory_space<vmem>>) offsets(%dma_start3A_319 : memref<96xi32, #tpu.memory_space<vmem>>) semaphore(%arg12 : memref<!tpu.dma_semaphore, #tpu.memory_space<semaphore_mem>>)
      } else {
      }
      %add3A_195 = arith.constant 2 : i32
      %add3A_196 = arith.addi %mul3A_90, %add3A_195 : i32
      %dma_wait3A_197 = arith.constant 0 : i32
      %dma_wait3A_198 = arith.constant 0 : i32
      %dma_wait3A_199 = arith.constant 0 : i32
      %dma_wait3A_200 = tpu.memref_slice %arg8[%dma_wait3A_198, %dma_wait3A_199] : memref<200x32xf32, #tpu.memory_space<vmem>> -> memref<104x32xf32, #tpu.memory_space<vmem>>
      %dma_wait3A_201 = arith.constant 0 : i32
      %dma_wait3A_202 = tpu.memref_slice %arg5[%dma_wait3A_197, %dma_wait3A_201] : memref<128x200xi32, #tpu.memory_space<vmem>> -> memref<1x104xi32, #tpu.memory_space<vmem>>
      %dma_wait3A_203 = tpu.memref_squeeze %dma_wait3A_202 : memref<1x104xi32, #tpu.memory_space<vmem>> -> memref<104xi32, #tpu.memory_space<vmem>>
      %dma_wait3A_204 = arith.constant 0 : i32
      %dma_wait3A_205 = arith.constant 0 : i32
      %dma_wait3A_206 = tpu.memref_slice %arg3[%dma_wait3A_204, %dma_wait3A_205] : memref<1000000x32xf32, #tpu.memory_space<hbm>> -> memref<1000000x32xf32, #tpu.memory_space<hbm>>
      tpu.wait_indirect_dma semaphore(%arg13 : memref<!tpu.dma_semaphore, #tpu.memory_space<semaphore_mem>>) src(%dma_wait3A_206 : memref<1000000x32xf32, #tpu.memory_space<hbm>>) dst(%dma_wait3A_200 : memref<104x32xf32, #tpu.memory_space<vmem>>)
      %dma_wait3A_207 = arith.constant 0 : i32
      %dma_wait3A_208 = arith.constant 104 : i32
      %dma_wait3A_209 = arith.constant 0 : i32
      %dma_wait3A_210 = tpu.memref_slice %arg8[%dma_wait3A_208, %dma_wait3A_209] : memref<200x32xf32, #tpu.memory_space<vmem>> -> memref<96x32xf32, #tpu.memory_space<vmem>>
      %dma_wait3A_211 = arith.constant 104 : i32
      %dma_wait3A_212 = tpu.memref_slice %arg5[%dma_wait3A_207, %dma_wait3A_211] : memref<128x200xi32, #tpu.memory_space<vmem>> -> memref<1x96xi32, #tpu.memory_space<vmem>>
      %dma_wait3A_213 = tpu.memref_squeeze %dma_wait3A_212 : memref<1x96xi32, #tpu.memory_space<vmem>> -> memref<96xi32, #tpu.memory_space<vmem>>
      %dma_wait3A_214 = arith.constant 0 : i32
      %dma_wait3A_215 = arith.constant 0 : i32
      %dma_wait3A_216 = tpu.memref_slice %arg3[%dma_wait3A_214, %dma_wait3A_215] : memref<1000000x32xf32, #tpu.memory_space<hbm>> -> memref<1000000x32xf32, #tpu.memory_space<hbm>>
      tpu.wait_indirect_dma semaphore(%arg13 : memref<!tpu.dma_semaphore, #tpu.memory_space<semaphore_mem>>) src(%dma_wait3A_216 : memref<1000000x32xf32, #tpu.memory_space<hbm>>) dst(%dma_wait3A_210 : memref<96x32xf32, #tpu.memory_space<vmem>>)
      %broadcast_in_dim3A_217 = arith.constant 0.000000e+00 : f32
      %broadcast_in_dim3A_218 = vector.broadcast %broadcast_in_dim3A_217 : f32 to vector<16xf32>
      %scan3A_219 = arith.constant 0 : i32
      %scan3A_220 = arith.constant 25 : i32
      %scan3A_221 = arith.addi %scan3A_219, %scan3A_220 : i32
      %scan3A_222 = arith.constant 1 : i32
      %scan3A_223:4 = scf.for %scan3A_305 = %scan3A_219 to %scan3A_221 step %scan3A_222 iter_args(%scan3A_306 = %broadcast_in_dim3A_218, %scan3A_307 = %broadcast_in_dim3A_218, %scan3A_308 = %broadcast_in_dim3A_218, %scan3A_309 = %broadcast_in_dim3A_218) -> (vector<16xf32>, vector<16xf32>, vector<16xf32>, vector<16xf32>)  : i32 {
        %mul3A_310 = arith.constant 8 : i32
        %mul3A_311 = arith.muli %scan3A_305, %mul3A_310 : i32
        %add3A_312 = arith.constant 0 : i32
        %add3A_313 = arith.addi %mul3A_311, %add3A_312 : i32
        %get3A = arith.index_cast %add3A_313 : i32 to index
        %get3A_314 = arith.constant 0 : index
        %get3A_315 = tpu.vector_load %arg8[%get3A, %get3A_314] {strides = array<i32>} : memref<200x32xf32, #tpu.memory_space<vmem>>, vector<1x16xf32>,
        %get3A_316 = vector.shape_cast %get3A_315 : vector<1x16xf32> to vector<16xf32>
        %add3A_317 = arith.addf %scan3A_306, %get3A_316 : vector<16xf32>
        %get3A_318 = arith.index_cast %add3A_313 : i32 to index
        %get3A_319 = arith.constant 16 : index
        %get3A_320 = tpu.vector_load %arg8[%get3A_318, %get3A_319] {strides = array<i32>} : memref<200x32xf32, #tpu.memory_space<vmem>>, vector<1x16xf32>,
        %get3A_321 = vector.shape_cast %get3A_320 : vector<1x16xf32> to vector<16xf32>
        %add3A_322 = arith.addf %scan3A_308, %get3A_321 : vector<16xf32>
        %add3A_323 = arith.constant 1 : i32
        %add3A_324 = arith.addi %mul3A_311, %add3A_323 : i32
        %get3A_325 = arith.index_cast %add3A_324 : i32 to index
        %get3A_326 = arith.constant 0 : index
        %get3A_327 = tpu.vector_load %arg8[%get3A_325, %get3A_326] {strides = array<i32>} : memref<200x32xf32, #tpu.memory_space<vmem>>, vector<1x16xf32>,
        %get3A_328 = vector.shape_cast %get3A_327 : vector<1x16xf32> to vector<16xf32>
        %add3A_329 = arith.addf %scan3A_307, %get3A_328 : vector<16xf32>
        %get3A_330 = arith.index_cast %add3A_324 : i32 to index
        %get3A_331 = arith.constant 16 : index
        %get3A_332 = tpu.vector_load %arg8[%get3A_330, %get3A_331] {strides = array<i32>} : memref<200x32xf32, #tpu.memory_space<vmem>>, vector<1x16xf32>,
        %get3A_333 = vector.shape_cast %get3A_332 : vector<1x16xf32> to vector<16xf32>
        %add3A_334 = arith.addf %scan3A_309, %get3A_333 : vector<16xf32>
        %add3A_335 = arith.constant 2 : i32
        %add3A_336 = arith.addi %mul3A_311, %add3A_335 : i32
        %get3A_337 = arith.index_cast %add3A_336 : i32 to index
        %get3A_338 = arith.constant 0 : index
        %get3A_339 = tpu.vector_load %arg8[%get3A_337, %get3A_338] {strides = array<i32>} : memref<200x32xf32, #tpu.memory_space<vmem>>, vector<1x16xf32>,
        %get3A_340 = vector.shape_cast %get3A_339 : vector<1x16xf32> to vector<16xf32>
        %add3A_341 = arith.addf %add3A_317, %get3A_340 : vector<16xf32>
        %get3A_342 = arith.index_cast %add3A_336 : i32 to index
        %get3A_343 = arith.constant 16 : index
        %get3A_344 = tpu.vector_load %arg8[%get3A_342, %get3A_343] {strides = array<i32>} : memref<200x32xf32, #tpu.memory_space<vmem>>, vector<1x16xf32>,
        %get3A_345 = vector.shape_cast %get3A_344 : vector<1x16xf32> to vector<16xf32>
        %add3A_346 = arith.addf %add3A_322, %get3A_345 : vector<16xf32>
        %add3A_347 = arith.constant 3 : i32
        %add3A_348 = arith.addi %mul3A_311, %add3A_347 : i32
        %get3A_349 = arith.index_cast %add3A_348 : i32 to index
        %get3A_350 = arith.constant 0 : index
        %get3A_351 = tpu.vector_load %arg8[%get3A_349, %get3A_350] {strides = array<i32>} : memref<200x32xf32, #tpu.memory_space<vmem>>, vector<1x16xf32>,
        %get3A_352 = vector.shape_cast %get3A_351 : vector<1x16xf32> to vector<16xf32>
        %add3A_353 = arith.addf %add3A_329, %get3A_352 : vector<16xf32>
        %get3A_354 = arith.index_cast %add3A_348 : i32 to index
        %get3A_355 = arith.constant 16 : index
        %get3A_356 = tpu.vector_load %arg8[%get3A_354, %get3A_355] {strides = array<i32>} : memref<200x32xf32, #tpu.memory_space<vmem>>, vector<1x16xf32>,
        %get3A_357 = vector.shape_cast %get3A_356 : vector<1x16xf32> to vector<16xf32>
        %add3A_358 = arith.addf %add3A_334, %get3A_357 : vector<16xf32>
        %add3A_359 = arith.constant 4 : i32
        %add3A_360 = arith.addi %mul3A_311, %add3A_359 : i32
        %get3A_361 = arith.index_cast %add3A_360 : i32 to index
        %get3A_362 = arith.constant 0 : index
        %get3A_363 = tpu.vector_load %arg8[%get3A_361, %get3A_362] {strides = array<i32>} : memref<200x32xf32, #tpu.memory_space<vmem>>, vector<1x16xf32>,
        %get3A_364 = vector.shape_cast %get3A_363 : vector<1x16xf32> to vector<16xf32>
        %add3A_365 = arith.addf %add3A_341, %get3A_364 : vector<16xf32>
        %get3A_366 = arith.index_cast %add3A_360 : i32 to index
        %get3A_367 = arith.constant 16 : index
        %get3A_368 = tpu.vector_load %arg8[%get3A_366, %get3A_367] {strides = array<i32>} : memref<200x32xf32, #tpu.memory_space<vmem>>, vector<1x16xf32>,
        %get3A_369 = vector.shape_cast %get3A_368 : vector<1x16xf32> to vector<16xf32>
        %add3A_370 = arith.addf %add3A_346, %get3A_369 : vector<16xf32>
        %add3A_371 = arith.constant 5 : i32
        %add3A_372 = arith.addi %mul3A_311, %add3A_371 : i32
        %get3A_373 = arith.index_cast %add3A_372 : i32 to index
        %get3A_374 = arith.constant 0 : index
        %get3A_375 = tpu.vector_load %arg8[%get3A_373, %get3A_374] {strides = array<i32>} : memref<200x32xf32, #tpu.memory_space<vmem>>, vector<1x16xf32>,
        %get3A_376 = vector.shape_cast %get3A_375 : vector<1x16xf32> to vector<16xf32>
        %add3A_377 = arith.addf %add3A_353, %get3A_376 : vector<16xf32>
        %get3A_378 = arith.index_cast %add3A_372 : i32 to index
        %get3A_379 = arith.constant 16 : index
        %get3A_380 = tpu.vector_load %arg8[%get3A_378, %get3A_379] {strides = array<i32>} : memref<200x32xf32, #tpu.memory_space<vmem>>, vector<1x16xf32>,
        %get3A_381 = vector.shape_cast %get3A_380 : vector<1x16xf32> to vector<16xf32>
        %add3A_382 = arith.addf %add3A_358, %get3A_381 : vector<16xf32>
        %add3A_383 = arith.constant 6 : i32
        %add3A_384 = arith.addi %mul3A_311, %add3A_383 : i32
        %get3A_385 = arith.index_cast %add3A_384 : i32 to index
        %get3A_386 = arith.constant 0 : index
        %get3A_387 = tpu.vector_load %arg8[%get3A_385, %get3A_386] {strides = array<i32>} : memref<200x32xf32, #tpu.memory_space<vmem>>, vector<1x16xf32>,
        %get3A_388 = vector.shape_cast %get3A_387 : vector<1x16xf32> to vector<16xf32>
        %add3A_389 = arith.addf %add3A_365, %get3A_388 : vector<16xf32>
        %get3A_390 = arith.index_cast %add3A_384 : i32 to index
        %get3A_391 = arith.constant 16 : index
        %get3A_392 = tpu.vector_load %arg8[%get3A_390, %get3A_391] {strides = array<i32>} : memref<200x32xf32, #tpu.memory_space<vmem>>, vector<1x16xf32>,
        %get3A_393 = vector.shape_cast %get3A_392 : vector<1x16xf32> to vector<16xf32>
        %add3A_394 = arith.addf %add3A_370, %get3A_393 : vector<16xf32>
        %add3A_395 = arith.constant 7 : i32
        %add3A_396 = arith.addi %mul3A_311, %add3A_395 : i32
        %get3A_397 = arith.index_cast %add3A_396 : i32 to index
        %get3A_398 = arith.constant 0 : index
        %get3A_399 = tpu.vector_load %arg8[%get3A_397, %get3A_398] {strides = array<i32>} : memref<200x32xf32, #tpu.memory_space<vmem>>, vector<1x16xf32>,
        %get3A_400 = vector.shape_cast %get3A_399 : vector<1x16xf32> to vector<16xf32>
        %add3A_401 = arith.addf %add3A_377, %get3A_400 : vector<16xf32>
        %get3A_402 = arith.index_cast %add3A_396 : i32 to index
        %get3A_403 = arith.constant 16 : index
        %get3A_404 = tpu.vector_load %arg8[%get3A_402, %get3A_403] {strides = array<i32>} : memref<200x32xf32, #tpu.memory_space<vmem>>, vector<1x16xf32>,
        %get3A_405 = vector.shape_cast %get3A_404 : vector<1x16xf32> to vector<16xf32>
        %add3A_406 = arith.addf %add3A_382, %get3A_405 : vector<16xf32>
        scf.yield %add3A_389, %add3A_401, %add3A_394, %add3A_406 : vector<16xf32>, vector<16xf32>, vector<16xf32>, vector<16xf32>
      }
      %scan3A_224 = arith.constant 25 : i32
      %add3A_225 = arith.addf %scan3A_223#0, %scan3A_223#1 : vector<16xf32>
      %mul3A_226 = arith.constant 5.000000e-03 : f32
      %mul3A_227 = vector.broadcast %mul3A_226 : f32 to vector<16xf32>
      %mul3A_228 = arith.mulf %add3A_225, %mul3A_227 : vector<16xf32>
      %add3A_229 = arith.addf %scan3A_223#2, %scan3A_223#3 : vector<16xf32>
      %mul3A_230 = arith.constant 5.000000e-03 : f32
      %mul3A_231 = vector.broadcast %mul3A_230 : f32 to vector<16xf32>
      %mul3A_232 = arith.mulf %add3A_229, %mul3A_231 : vector<16xf32>
      %swap3A_233 = arith.index_cast %add3A_196 : i32 to index
      %swap3A_234 = arith.constant 0 : index
      %swap3A_235 = tpu.vector_load %arg10[%swap3A_233, %swap3A_234] {strides = array<i32>} : memref<128x32xf32, #tpu.memory_space<vmem>>, vector<1x16xf32>,
      %swap3A_236 = vector.shape_cast %swap3A_235 : vector<1x16xf32> to vector<16xf32>
      %swap3A_237 = vector.shape_cast %mul3A_228 : vector<16xf32> to vector<1x16xf32>
      tpu.vector_store %arg10[%swap3A_233, %swap3A_234], %swap3A_237 {strides = array<i32>} : memref<128x32xf32, #tpu.memory_space<vmem>>, vector<1x16xf32>,
      %swap3A_238 = arith.index_cast %add3A_196 : i32 to index
      %swap3A_239 = arith.constant 16 : index
      %swap3A_240 = tpu.vector_load %arg10[%swap3A_238, %swap3A_239] {strides = array<i32>} : memref<128x32xf32, #tpu.memory_space<vmem>>, vector<1x16xf32>,
      %swap3A_241 = vector.shape_cast %swap3A_240 : vector<1x16xf32> to vector<16xf32>
      %swap3A_242 = vector.shape_cast %mul3A_232 : vector<16xf32> to vector<1x16xf32>
      tpu.vector_store %arg10[%swap3A_238, %swap3A_239], %swap3A_242 {strides = array<i32>} : memref<128x32xf32, #tpu.memory_space<vmem>>, vector<1x16xf32>,
      %add3A_243 = arith.constant 4 : i32
      %add3A_244 = arith.addi %add3A_196, %add3A_243 : i32
      %lt3A_245 = arith.constant 128 : i32
      %lt3A_246 = arith.cmpi slt, %add3A_244, %lt3A_245 : i32
      %convert_element_type3A_247 = arith.extui %lt3A_246 : i1 to i32
      %cond3A_248 = arith.constant 0 : i32
      %cond3A_249 = arith.cmpi ne, %convert_element_type3A_247, %cond3A_248 : i32
      scf.if %cond3A_249 {
        %dma_start3A_305 = arith.constant 0 : i32
        %dma_start3A_306 = arith.constant 0 : i32
        %dma_start3A_307 = tpu.memref_slice %arg8[%dma_start3A_305, %dma_start3A_306] : memref<200x32xf32, #tpu.memory_space<vmem>> -> memref<104x32xf32, #tpu.memory_space<vmem>>
        %dma_start3A_308 = arith.constant 0 : i32
        %dma_start3A_309 = tpu.memref_slice %arg5[%add3A_244, %dma_start3A_308] : memref<128x200xi32, #tpu.memory_space<vmem>> -> memref<1x104xi32, #tpu.memory_space<vmem>>
        %dma_start3A_310 = tpu.memref_squeeze %dma_start3A_309 : memref<1x104xi32, #tpu.memory_space<vmem>> -> memref<104xi32, #tpu.memory_space<vmem>>
        %dma_start3A_311 = arith.constant 0 : i32
        %dma_start3A_312 = arith.constant 0 : i32
        %dma_start3A_313 = tpu.memref_slice %arg3[%dma_start3A_311, %dma_start3A_312] : memref<1000000x32xf32, #tpu.memory_space<hbm>> -> memref<1000000x32xf32, #tpu.memory_space<hbm>>
        tpu.enqueue_indirect_dma source(%dma_start3A_313 : memref<1000000x32xf32, #tpu.memory_space<hbm>>) target(%dma_start3A_307 : memref<104x32xf32, #tpu.memory_space<vmem>>) offsets(%dma_start3A_310 : memref<104xi32, #tpu.memory_space<vmem>>) semaphore(%arg13 : memref<!tpu.dma_semaphore, #tpu.memory_space<semaphore_mem>>)
        %dma_start3A_314 = arith.constant 104 : i32
        %dma_start3A_315 = arith.constant 0 : i32
        %dma_start3A_316 = tpu.memref_slice %arg8[%dma_start3A_314, %dma_start3A_315] : memref<200x32xf32, #tpu.memory_space<vmem>> -> memref<96x32xf32, #tpu.memory_space<vmem>>
        %dma_start3A_317 = arith.constant 104 : i32
        %dma_start3A_318 = tpu.memref_slice %arg5[%add3A_244, %dma_start3A_317] : memref<128x200xi32, #tpu.memory_space<vmem>> -> memref<1x96xi32, #tpu.memory_space<vmem>>
        %dma_start3A_319 = tpu.memref_squeeze %dma_start3A_318 : memref<1x96xi32, #tpu.memory_space<vmem>> -> memref<96xi32, #tpu.memory_space<vmem>>
        %dma_start3A_320 = arith.constant 0 : i32
        %dma_start3A_321 = arith.constant 0 : i32
        %dma_start3A_322 = tpu.memref_slice %arg3[%dma_start3A_320, %dma_start3A_321] : memref<1000000x32xf32, #tpu.memory_space<hbm>> -> memref<1000000x32xf32, #tpu.memory_space<hbm>>
        tpu.enqueue_indirect_dma source(%dma_start3A_322 : memref<1000000x32xf32, #tpu.memory_space<hbm>>) target(%dma_start3A_316 : memref<96x32xf32, #tpu.memory_space<vmem>>) offsets(%dma_start3A_319 : memref<96xi32, #tpu.memory_space<vmem>>) semaphore(%arg13 : memref<!tpu.dma_semaphore, #tpu.memory_space<semaphore_mem>>)
      } else {
      }
      %add3A_250 = arith.constant 3 : i32
      %add3A_251 = arith.addi %mul3A_90, %add3A_250 : i32
      %dma_wait3A_252 = arith.constant 0 : i32
      %dma_wait3A_253 = arith.constant 0 : i32
      %dma_wait3A_254 = arith.constant 0 : i32
      %dma_wait3A_255 = tpu.memref_slice %arg9[%dma_wait3A_253, %dma_wait3A_254] : memref<200x32xf32, #tpu.memory_space<vmem>> -> memref<104x32xf32, #tpu.memory_space<vmem>>
      %dma_wait3A_256 = arith.constant 0 : i32
      %dma_wait3A_257 = tpu.memref_slice %arg5[%dma_wait3A_252, %dma_wait3A_256] : memref<128x200xi32, #tpu.memory_space<vmem>> -> memref<1x104xi32, #tpu.memory_space<vmem>>
      %dma_wait3A_258 = tpu.memref_squeeze %dma_wait3A_257 : memref<1x104xi32, #tpu.memory_space<vmem>> -> memref<104xi32, #tpu.memory_space<vmem>>
      %dma_wait3A_259 = arith.constant 0 : i32
      %dma_wait3A_260 = arith.constant 0 : i32
      %dma_wait3A_261 = tpu.memref_slice %arg3[%dma_wait3A_259, %dma_wait3A_260] : memref<1000000x32xf32, #tpu.memory_space<hbm>> -> memref<1000000x32xf32, #tpu.memory_space<hbm>>
      tpu.wait_indirect_dma semaphore(%arg14 : memref<!tpu.dma_semaphore, #tpu.memory_space<semaphore_mem>>) src(%dma_wait3A_261 : memref<1000000x32xf32, #tpu.memory_space<hbm>>) dst(%dma_wait3A_255 : memref<104x32xf32, #tpu.memory_space<vmem>>)
      %dma_wait3A_262 = arith.constant 0 : i32
      %dma_wait3A_263 = arith.constant 104 : i32
      %dma_wait3A_264 = arith.constant 0 : i32
      %dma_wait3A_265 = tpu.memref_slice %arg9[%dma_wait3A_263, %dma_wait3A_264] : memref<200x32xf32, #tpu.memory_space<vmem>> -> memref<96x32xf32, #tpu.memory_space<vmem>>
      %dma_wait3A_266 = arith.constant 104 : i32
      %dma_wait3A_267 = tpu.memref_slice %arg5[%dma_wait3A_262, %dma_wait3A_266] : memref<128x200xi32, #tpu.memory_space<vmem>> -> memref<1x96xi32, #tpu.memory_space<vmem>>
      %dma_wait3A_268 = tpu.memref_squeeze %dma_wait3A_267 : memref<1x96xi32, #tpu.memory_space<vmem>> -> memref<96xi32, #tpu.memory_space<vmem>>
      %dma_wait3A_269 = arith.constant 0 : i32
      %dma_wait3A_270 = arith.constant 0 : i32
      %dma_wait3A_271 = tpu.memref_slice %arg3[%dma_wait3A_269, %dma_wait3A_270] : memref<1000000x32xf32, #tpu.memory_space<hbm>> -> memref<1000000x32xf32, #tpu.memory_space<hbm>>
      tpu.wait_indirect_dma semaphore(%arg14 : memref<!tpu.dma_semaphore, #tpu.memory_space<semaphore_mem>>) src(%dma_wait3A_271 : memref<1000000x32xf32, #tpu.memory_space<hbm>>) dst(%dma_wait3A_265 : memref<96x32xf32, #tpu.memory_space<vmem>>)
      %broadcast_in_dim3A_272 = arith.constant 0.000000e+00 : f32
      %broadcast_in_dim3A_273 = vector.broadcast %broadcast_in_dim3A_272 : f32 to vector<16xf32>
      %scan3A_274 = arith.constant 0 : i32
      %scan3A_275 = arith.constant 25 : i32
      %scan3A_276 = arith.addi %scan3A_274, %scan3A_275 : i32
      %scan3A_277 = arith.constant 1 : i32
      %scan3A_278:4 = scf.for %scan3A_305 = %scan3A_274 to %scan3A_276 step %scan3A_277 iter_args(%scan3A_306 = %broadcast_in_dim3A_273, %scan3A_307 = %broadcast_in_dim3A_273, %scan3A_308 = %broadcast_in_dim3A_273, %scan3A_309 = %broadcast_in_dim3A_273) -> (vector<16xf32>, vector<16xf32>, vector<16xf32>, vector<16xf32>)  : i32 {
        %mul3A_310 = arith.constant 8 : i32
        %mul3A_311 = arith.muli %scan3A_305, %mul3A_310 : i32
        %add3A_312 = arith.constant 0 : i32
        %add3A_313 = arith.addi %mul3A_311, %add3A_312 : i32
        %get3A = arith.index_cast %add3A_313 : i32 to index
        %get3A_314 = arith.constant 0 : index
        %get3A_315 = tpu.vector_load %arg9[%get3A, %get3A_314] {strides = array<i32>} : memref<200x32xf32, #tpu.memory_space<vmem>>, vector<1x16xf32>,
        %get3A_316 = vector.shape_cast %get3A_315 : vector<1x16xf32> to vector<16xf32>
        %add3A_317 = arith.addf %scan3A_306, %get3A_316 : vector<16xf32>
        %get3A_318 = arith.index_cast %add3A_313 : i32 to index
        %get3A_319 = arith.constant 16 : index
        %get3A_320 = tpu.vector_load %arg9[%get3A_318, %get3A_319] {strides = array<i32>} : memref<200x32xf32, #tpu.memory_space<vmem>>, vector<1x16xf32>,
        %get3A_321 = vector.shape_cast %get3A_320 : vector<1x16xf32> to vector<16xf32>
        %add3A_322 = arith.addf %scan3A_308, %get3A_321 : vector<16xf32>
        %add3A_323 = arith.constant 1 : i32
        %add3A_324 = arith.addi %mul3A_311, %add3A_323 : i32
        %get3A_325 = arith.index_cast %add3A_324 : i32 to index
        %get3A_326 = arith.constant 0 : index
        %get3A_327 = tpu.vector_load %arg9[%get3A_325, %get3A_326] {strides = array<i32>} : memref<200x32xf32, #tpu.memory_space<vmem>>, vector<1x16xf32>,
        %get3A_328 = vector.shape_cast %get3A_327 : vector<1x16xf32> to vector<16xf32>
        %add3A_329 = arith.addf %scan3A_307, %get3A_328 : vector<16xf32>
        %get3A_330 = arith.index_cast %add3A_324 : i32 to index
        %get3A_331 = arith.constant 16 : index
        %get3A_332 = tpu.vector_load %arg9[%get3A_330, %get3A_331] {strides = array<i32>} : memref<200x32xf32, #tpu.memory_space<vmem>>, vector<1x16xf32>,
        %get3A_333 = vector.shape_cast %get3A_332 : vector<1x16xf32> to vector<16xf32>
        %add3A_334 = arith.addf %scan3A_309, %get3A_333 : vector<16xf32>
        %add3A_335 = arith.constant 2 : i32
        %add3A_336 = arith.addi %mul3A_311, %add3A_335 : i32
        %get3A_337 = arith.index_cast %add3A_336 : i32 to index
        %get3A_338 = arith.constant 0 : index
        %get3A_339 = tpu.vector_load %arg9[%get3A_337, %get3A_338] {strides = array<i32>} : memref<200x32xf32, #tpu.memory_space<vmem>>, vector<1x16xf32>,
        %get3A_340 = vector.shape_cast %get3A_339 : vector<1x16xf32> to vector<16xf32>
        %add3A_341 = arith.addf %add3A_317, %get3A_340 : vector<16xf32>
        %get3A_342 = arith.index_cast %add3A_336 : i32 to index
        %get3A_343 = arith.constant 16 : index
        %get3A_344 = tpu.vector_load %arg9[%get3A_342, %get3A_343] {strides = array<i32>} : memref<200x32xf32, #tpu.memory_space<vmem>>, vector<1x16xf32>,
        %get3A_345 = vector.shape_cast %get3A_344 : vector<1x16xf32> to vector<16xf32>
        %add3A_346 = arith.addf %add3A_322, %get3A_345 : vector<16xf32>
        %add3A_347 = arith.constant 3 : i32
        %add3A_348 = arith.addi %mul3A_311, %add3A_347 : i32
        %get3A_349 = arith.index_cast %add3A_348 : i32 to index
        %get3A_350 = arith.constant 0 : index
        %get3A_351 = tpu.vector_load %arg9[%get3A_349, %get3A_350] {strides = array<i32>} : memref<200x32xf32, #tpu.memory_space<vmem>>, vector<1x16xf32>,
        %get3A_352 = vector.shape_cast %get3A_351 : vector<1x16xf32> to vector<16xf32>
        %add3A_353 = arith.addf %add3A_329, %get3A_352 : vector<16xf32>
        %get3A_354 = arith.index_cast %add3A_348 : i32 to index
        %get3A_355 = arith.constant 16 : index
        %get3A_356 = tpu.vector_load %arg9[%get3A_354, %get3A_355] {strides = array<i32>} : memref<200x32xf32, #tpu.memory_space<vmem>>, vector<1x16xf32>,
        %get3A_357 = vector.shape_cast %get3A_356 : vector<1x16xf32> to vector<16xf32>
        %add3A_358 = arith.addf %add3A_334, %get3A_357 : vector<16xf32>
        %add3A_359 = arith.constant 4 : i32
        %add3A_360 = arith.addi %mul3A_311, %add3A_359 : i32
        %get3A_361 = arith.index_cast %add3A_360 : i32 to index
        %get3A_362 = arith.constant 0 : index
        %get3A_363 = tpu.vector_load %arg9[%get3A_361, %get3A_362] {strides = array<i32>} : memref<200x32xf32, #tpu.memory_space<vmem>>, vector<1x16xf32>,
        %get3A_364 = vector.shape_cast %get3A_363 : vector<1x16xf32> to vector<16xf32>
        %add3A_365 = arith.addf %add3A_341, %get3A_364 : vector<16xf32>
        %get3A_366 = arith.index_cast %add3A_360 : i32 to index
        %get3A_367 = arith.constant 16 : index
        %get3A_368 = tpu.vector_load %arg9[%get3A_366, %get3A_367] {strides = array<i32>} : memref<200x32xf32, #tpu.memory_space<vmem>>, vector<1x16xf32>,
        %get3A_369 = vector.shape_cast %get3A_368 : vector<1x16xf32> to vector<16xf32>
        %add3A_370 = arith.addf %add3A_346, %get3A_369 : vector<16xf32>
        %add3A_371 = arith.constant 5 : i32
        %add3A_372 = arith.addi %mul3A_311, %add3A_371 : i32
        %get3A_373 = arith.index_cast %add3A_372 : i32 to index
        %get3A_374 = arith.constant 0 : index
        %get3A_375 = tpu.vector_load %arg9[%get3A_373, %get3A_374] {strides = array<i32>} : memref<200x32xf32, #tpu.memory_space<vmem>>, vector<1x16xf32>,
        %get3A_376 = vector.shape_cast %get3A_375 : vector<1x16xf32> to vector<16xf32>
        %add3A_377 = arith.addf %add3A_353, %get3A_376 : vector<16xf32>
        %get3A_378 = arith.index_cast %add3A_372 : i32 to index
        %get3A_379 = arith.constant 16 : index
        %get3A_380 = tpu.vector_load %arg9[%get3A_378, %get3A_379] {strides = array<i32>} : memref<200x32xf32, #tpu.memory_space<vmem>>, vector<1x16xf32>,
        %get3A_381 = vector.shape_cast %get3A_380 : vector<1x16xf32> to vector<16xf32>
        %add3A_382 = arith.addf %add3A_358, %get3A_381 : vector<16xf32>
        %add3A_383 = arith.constant 6 : i32
        %add3A_384 = arith.addi %mul3A_311, %add3A_383 : i32
        %get3A_385 = arith.index_cast %add3A_384 : i32 to index
        %get3A_386 = arith.constant 0 : index
        %get3A_387 = tpu.vector_load %arg9[%get3A_385, %get3A_386] {strides = array<i32>} : memref<200x32xf32, #tpu.memory_space<vmem>>, vector<1x16xf32>,
        %get3A_388 = vector.shape_cast %get3A_387 : vector<1x16xf32> to vector<16xf32>
        %add3A_389 = arith.addf %add3A_365, %get3A_388 : vector<16xf32>
        %get3A_390 = arith.index_cast %add3A_384 : i32 to index
        %get3A_391 = arith.constant 16 : index
        %get3A_392 = tpu.vector_load %arg9[%get3A_390, %get3A_391] {strides = array<i32>} : memref<200x32xf32, #tpu.memory_space<vmem>>, vector<1x16xf32>,
        %get3A_393 = vector.shape_cast %get3A_392 : vector<1x16xf32> to vector<16xf32>
        %add3A_394 = arith.addf %add3A_370, %get3A_393 : vector<16xf32>
        %add3A_395 = arith.constant 7 : i32
        %add3A_396 = arith.addi %mul3A_311, %add3A_395 : i32
        %get3A_397 = arith.index_cast %add3A_396 : i32 to index
        %get3A_398 = arith.constant 0 : index
        %get3A_399 = tpu.vector_load %arg9[%get3A_397, %get3A_398] {strides = array<i32>} : memref<200x32xf32, #tpu.memory_space<vmem>>, vector<1x16xf32>,
        %get3A_400 = vector.shape_cast %get3A_399 : vector<1x16xf32> to vector<16xf32>
        %add3A_401 = arith.addf %add3A_377, %get3A_400 : vector<16xf32>
        %get3A_402 = arith.index_cast %add3A_396 : i32 to index
        %get3A_403 = arith.constant 16 : index
        %get3A_404 = tpu.vector_load %arg9[%get3A_402, %get3A_403] {strides = array<i32>} : memref<200x32xf32, #tpu.memory_space<vmem>>, vector<1x16xf32>,
        %get3A_405 = vector.shape_cast %get3A_404 : vector<1x16xf32> to vector<16xf32>
        %add3A_406 = arith.addf %add3A_382, %get3A_405 : vector<16xf32>
        scf.yield %add3A_389, %add3A_401, %add3A_394, %add3A_406 : vector<16xf32>, vector<16xf32>, vector<16xf32>, vector<16xf32>
      }
      %scan3A_279 = arith.constant 25 : i32
      %add3A_280 = arith.addf %scan3A_278#0, %scan3A_278#1 : vector<16xf32>
      %mul3A_281 = arith.constant 5.000000e-03 : f32
      %mul3A_282 = vector.broadcast %mul3A_281 : f32 to vector<16xf32>
      %mul3A_283 = arith.mulf %add3A_280, %mul3A_282 : vector<16xf32>
      %add3A_284 = arith.addf %scan3A_278#2, %scan3A_278#3 : vector<16xf32>
      %mul3A_285 = arith.constant 5.000000e-03 : f32
      %mul3A_286 = vector.broadcast %mul3A_285 : f32 to vector<16xf32>
      %mul3A_287 = arith.mulf %add3A_284, %mul3A_286 : vector<16xf32>
      %swap3A_288 = arith.index_cast %add3A_251 : i32 to index
      %swap3A_289 = arith.constant 0 : index
      %swap3A_290 = tpu.vector_load %arg10[%swap3A_288, %swap3A_289] {strides = array<i32>} : memref<128x32xf32, #tpu.memory_space<vmem>>, vector<1x16xf32>,
      %swap3A_291 = vector.shape_cast %swap3A_290 : vector<1x16xf32> to vector<16xf32>
      %swap3A_292 = vector.shape_cast %mul3A_283 : vector<16xf32> to vector<1x16xf32>
      tpu.vector_store %arg10[%swap3A_288, %swap3A_289], %swap3A_292 {strides = array<i32>} : memref<128x32xf32, #tpu.memory_space<vmem>>, vector<1x16xf32>,
      %swap3A_293 = arith.index_cast %add3A_251 : i32 to index
      %swap3A_294 = arith.constant 16 : index
      %swap3A_295 = tpu.vector_load %arg10[%swap3A_293, %swap3A_294] {strides = array<i32>} : memref<128x32xf32, #tpu.memory_space<vmem>>, vector<1x16xf32>,
      %swap3A_296 = vector.shape_cast %swap3A_295 : vector<1x16xf32> to vector<16xf32>
      %swap3A_297 = vector.shape_cast %mul3A_287 : vector<16xf32> to vector<1x16xf32>
      tpu.vector_store %arg10[%swap3A_293, %swap3A_294], %swap3A_297 {strides = array<i32>} : memref<128x32xf32, #tpu.memory_space<vmem>>, vector<1x16xf32>,
      %add3A_298 = arith.constant 4 : i32
      %add3A_299 = arith.addi %add3A_251, %add3A_298 : i32
      %lt3A_300 = arith.constant 128 : i32
      %lt3A_301 = arith.cmpi slt, %add3A_299, %lt3A_300 : i32
      %convert_element_type3A_302 = arith.extui %lt3A_301 : i1 to i32
      %cond3A_303 = arith.constant 0 : i32
      %cond3A_304 = arith.cmpi ne, %convert_element_type3A_302, %cond3A_303 : i32
      scf.if %cond3A_304 {
        %dma_start3A_305 = arith.constant 0 : i32
        %dma_start3A_306 = arith.constant 0 : i32
        %dma_start3A_307 = tpu.memref_slice %arg9[%dma_start3A_305, %dma_start3A_306] : memref<200x32xf32, #tpu.memory_space<vmem>> -> memref<104x32xf32, #tpu.memory_space<vmem>>
        %dma_start3A_308 = arith.constant 0 : i32
        %dma_start3A_309 = tpu.memref_slice %arg5[%add3A_299, %dma_start3A_308] : memref<128x200xi32, #tpu.memory_space<vmem>> -> memref<1x104xi32, #tpu.memory_space<vmem>>
        %dma_start3A_310 = tpu.memref_squeeze %dma_start3A_309 : memref<1x104xi32, #tpu.memory_space<vmem>> -> memref<104xi32, #tpu.memory_space<vmem>>
        %dma_start3A_311 = arith.constant 0 : i32
        %dma_start3A_312 = arith.constant 0 : i32
        %dma_start3A_313 = tpu.memref_slice %arg3[%dma_start3A_311, %dma_start3A_312] : memref<1000000x32xf32, #tpu.memory_space<hbm>> -> memref<1000000x32xf32, #tpu.memory_space<hbm>>
        tpu.enqueue_indirect_dma source(%dma_start3A_313 : memref<1000000x32xf32, #tpu.memory_space<hbm>>) target(%dma_start3A_307 : memref<104x32xf32, #tpu.memory_space<vmem>>) offsets(%dma_start3A_310 : memref<104xi32, #tpu.memory_space<vmem>>) semaphore(%arg14 : memref<!tpu.dma_semaphore, #tpu.memory_space<semaphore_mem>>)
        %dma_start3A_314 = arith.constant 104 : i32
        %dma_start3A_315 = arith.constant 0 : i32
        %dma_start3A_316 = tpu.memref_slice %arg9[%dma_start3A_314, %dma_start3A_315] : memref<200x32xf32, #tpu.memory_space<vmem>> -> memref<96x32xf32, #tpu.memory_space<vmem>>
        %dma_start3A_317 = arith.constant 104 : i32
        %dma_start3A_318 = tpu.memref_slice %arg5[%add3A_299, %dma_start3A_317] : memref<128x200xi32, #tpu.memory_space<vmem>> -> memref<1x96xi32, #tpu.memory_space<vmem>>
        %dma_start3A_319 = tpu.memref_squeeze %dma_start3A_318 : memref<1x96xi32, #tpu.memory_space<vmem>> -> memref<96xi32, #tpu.memory_space<vmem>>
        %dma_start3A_320 = arith.constant 0 : i32
        %dma_start3A_321 = arith.constant 0 : i32
        %dma_start3A_322 = tpu.memref_slice %arg3[%dma_start3A_320, %dma_start3A_321] : memref<1000000x32xf32, #tpu.memory_space<hbm>> -> memref<1000000x32xf32, #tpu.memory_space<hbm>>
        tpu.enqueue_indirect_dma source(%dma_start3A_322 : memref<1000000x32xf32, #tpu.memory_space<hbm>>) target(%dma_start3A_316 : memref<96x32xf32, #tpu.memory_space<vmem>>) offsets(%dma_start3A_319 : memref<96xi32, #tpu.memory_space<vmem>>) semaphore(%arg14 : memref<!tpu.dma_semaphore, #tpu.memory_space<semaphore_mem>>)
      } else {
      }
    }
    %scan3A_86 = arith.constant 32 : i32
    %multiple_of3A_87 = tpu.assume_multiple %mul3A_2, 8 : i32
    "tpu.region"() ({
      %run_scoped3A = tpu.sem_alloc : memref<!tpu.dma_semaphore, #tpu.memory_space<semaphore_mem>>
      %dma_start3A_88 = arith.constant 0 : i32
      %dma_start3A_89 = tpu.memref_slice %arg4[%multiple_of3A_87, %dma_start3A_88] : memref<4096x32xf32, #tpu.memory_space<hbm>> -> memref<128x32xf32, #tpu.memory_space<hbm>>
      %dma_start3A_90 = arith.constant 0 : i32
      %dma_start3A_91 = tpu.memref_slice %arg4[%multiple_of3A_87, %dma_start3A_90] : memref<4096x32xf32, #tpu.memory_space<hbm>> -> memref<128x32xf32, #tpu.memory_space<hbm>>
      tpu.enqueue_dma source(%arg10 : memref<128x32xf32, #tpu.memory_space<vmem>>) target(%dma_start3A_91 : memref<128x32xf32, #tpu.memory_space<hbm>>) target_semaphore(%run_scoped3A : memref<!tpu.dma_semaphore, #tpu.memory_space<semaphore_mem>>)
      %dma_wait3A = arith.constant 0 : i32
      %dma_wait3A_92 = tpu.memref_slice %arg4[%multiple_of3A_87, %dma_wait3A] : memref<4096x32xf32, #tpu.memory_space<hbm>> -> memref<128x32xf32, #tpu.memory_space<hbm>>
      %dma_wait3A_93 = arith.constant 0 : i32
      %dma_wait3A_94 = tpu.memref_slice %arg4[%multiple_of3A_87, %dma_wait3A_93] : memref<4096x32xf32, #tpu.memory_space<hbm>> -> memref<128x32xf32, #tpu.memory_space<hbm>>
      tpu.wait_dma2 semaphore(%run_scoped3A : memref<!tpu.dma_semaphore, #tpu.memory_space<semaphore_mem>>) src(%arg10 : memref<128x32xf32, #tpu.memory_space<vmem>>) dst(%dma_wait3A_94 : memref<128x32xf32, #tpu.memory_space<hbm>>)
      tpu.yield
    }) : () -> ()
    return
  }
}

</mosaic_0001>

<sc_bundles>
// kernel: kernel.3.cloned.1.call-start
scs
__scs_entry_jumppad:
0x0: {  	(pc) =	sbr.rel $0x88, $3  }
0x1: {  	(tag) =	ssettag $0x0;
	lr =	simm.s32 $0x1  }
0x2: {  	[smem:$0x3F9F] =	sst lr;
	_ =	strace $0xD0000000  }
0x3: {  	_ = 	snop  }
0x4: {  	_ = 	snop  }
0x5: {  	_ = 	snop  }
0x6: {  	_ = 	snop  }
0x7: {  	_ = 	snop  }
__scs_overlays_trampoline_lowered:
0x8: {  	[smem:$0x3FAE] =	sst s0  }
0x9: {  	[smem:$0x3FAF] =	sst s1  }
0xa: {  	[smem:$0x3FB0] =	sst s2  }
0xb: {  	[smem:$0x3FB1] =	sst s3  }
0xc: {  	[smem:$0x3FB2] =	sst s4  }
0xd: {  	[smem:$0x3FB3] =	sst s5  }
0xe: {  	[smem:$0x3FB4] =	sst s6  }
0xf: {  	[smem:$0x3FB5] =	sst s7  }
0x10: {  	[smem:$0x3FB6] =	sst s8  }
0x11: {  	[smem:$0x3FB7] =	sst s9;
	s0 =	simm.s32 @!p0 $0x0  }
0x12: {  	s1 =	sld [smem:$0x3F9D];
	s0 =	simm.s32 @p0 $0x1  }
0x13: {  	[smem:$0x3FB8] =	sst s0;
	s0 =	simm.s32 @!p1 $0x0  }
0x14: {  	s2 =	sld [smem:$0x3F9C];
	s0 =	simm.s32 @p1 $0x1  }
0x15: {  	[smem:$0x3FB9] =	sst s0;
	s0 =	simm.s32 @!p2 $0x0  }
0x16: {  	s3 =	sld [smem:$0x3FDB];
	s0 =	simm.s32 @p2 $0x1  }
0x17: {  	s4 =	simm.s32 $0x1BF5;
	[smem:$0x3FBB] =	sst s0  }
0x18: {  	s0 =	sld [smem:$0x3F9E];
	_ =	swait.ge [sflag:s4], $0x0  }
0x19: {  	s7 =	sld [smem:$0x3F9F]  }
0x1a: {  	s8 =	sadd.s32 $0xFFFFE003, lr  }
0x1b: {  	s9 =	sadd.s32 $0xFFFFFEF7, lr;
	s5 =	simm.s32 $0xFFFFFFFF;
	p2 =	slt.u32 s8, $0xFFFFF086  }
0x1c: {  	p1 =	slt.u32 s9, $0xF7A;
	s5 =	simm.s32 @!p2 $0x0  }
0x1d: {  	s5 =	simm.s32 @p1 $0x1;
	p0 =	seq.s32 s7, s2  }
0x1e: {  	s7 =	smul.u32 @!p0 $0xF7A, s2;
	p2 =	seq.s32 @!p0 s5, $0x0  }
0x1f: {  	s9 =	smul.u32 $0xF7A, s1;
	s8 =	simm.s32 @!p0 $0x1BF5;
	p2 =	por !p2, p0  }
0x20: {  	[sflag:s8] =	ssyncset.s32 @!p0 $0xFFFFF086;
	s6 =	sadd.s32 @!p0 s3, s7;
	s7 =	simm.s32 @!p0 $0x108  }
0x21: {  	s3 =	sadd.s32 s3, s9;
	s6 =	sadd.s32 @!p0 $0x88, s6;
	s7 =	simm.s32 @p2 $0x1082  }
0x22: {  	[simem:s7], [sflag:s8] =	dma.local @!p0 [hbm:s6], $0xF7A  }
0x23: {  	s9 =	sor.u32 $0xD0000000, s2;
	s6 =	simm.s32 $0x108;
	_ =	swait.ge @!p0 [sflag:s8], $0x0  }
0x24: {  	s3 =	sadd.s32 $0x88, s3;
	s6 =	simm.s32 @!p1 $0x1082;
	[sflag:s4] =	ssyncset.s32 $0xFFFFF086  }
0x25: {  	[simem:s6], [sflag:s4] =	dma.local [hbm:s3], $0xF7A  }
0x26: {  	[smem:$0x3F9F] =	sst s1;
	(tag) =	ssettag s2;
	_ =	strace s9  }
0x27: {  	s1 =	sld [smem:$0x3FAF]  }
0x28: {  	s2 =	sld [smem:$0x3FB0]  }
0x29: {  	s4 =	sld [smem:$0x3FB2]  }
0x2a: {  	p0 =	seq.s32 s5, $0x0;
	s5 =	sld [smem:$0x3FB3]  }
0x2b: {  	s6 =	sld [smem:$0x3FB4]  }
0x2c: {  	s7 =	sld [smem:$0x3FB5]  }
0x2d: {  	s3 =	simm.s32 $0x108;
	s8 =	sld [smem:$0x3FB6]  }
0x2e: {  	s3 =	simm.s32 @!p0 $0x1082;
	s9 =	sld [smem:$0x3FB7]  }
0x2f: {  	lr =	sadd.s32 s0, s3;
	s0 =	sld [smem:$0x3FAE]  }
0x30: {  	s3 =	sld [smem:$0x3FB1]  }
0x31: {  	[smem:$0x3FBA] =	sst s10  }
0x32: {  	s10 =	sld [smem:$0x3FB8];
	_ =	sdelay $0x3  }
0x33: {  	p0 =	seq.s32 s10, $0x1;
	s10 =	sld [smem:$0x3FBA];
	_ =	sdelay $0x3  }
0x34: {  	[smem:$0x3FBA] =	sst s10  }
0x35: {  	s10 =	sld [smem:$0x3FB9];
	_ =	sdelay $0x3  }
0x36: {  	p1 =	seq.s32 s10, $0x1;
	s10 =	sld [smem:$0x3FBA];
	_ =	sdelay $0x3  }
0x37: {  	[smem:$0x3FBA] =	sst s10  }
0x38: {  	s10 =	sld [smem:$0x3FBB]  }
0x39: {  	_ = 	snop;
	(pc) =	sbr.ind lr, $3  }
0x3a: {  	_ = 	snop  }
0x3b: {  	_ = 	snop  }
0x3c: {  	p2 =	seq.s32 s10, $0x1;
	s10 =	sld [smem:$0x3FBA]  }
0x3d: {  	_ =	shalt  }
0x3e: {  	_ =	shalt  }
0x3f: {  	_ =	shalt  }
0x40: {  	_ =	shalt  }
0x41: {  	_ =	shalt  }
0x42: {  	_ =	shalt  }
0x43: {  	_ =	shalt  }
0x44: {  	_ =	shalt  }
0x45: {  	_ =	shalt  }
0x46: {  	_ =	shalt  }
0x47: {  	_ =	shalt  }
0x48: {  	_ =	shalt  }
0x49: {  	_ =	shalt  }
0x4a: {  	_ =	shalt  }
0x4b: {  	_ =	shalt  }
0x4c: {  	_ =	shalt  }
0x4d: {  	_ =	shalt  }
0x4e: {  	_ =	shalt  }
0x4f: {  	_ =	shalt  }
0x50: {  	_ =	shalt  }
0x51: {  	_ =	shalt  }
0x52: {  	_ =	shalt  }
0x53: {  	_ =	shalt  }
0x54: {  	_ =	shalt  }
0x55: {  	_ =	shalt  }
0x56: {  	_ =	shalt  }
0x57: {  	_ =	shalt  }
0x58: {  	_ =	shalt  }
0x59: {  	_ =	shalt  }
0x5a: {  	_ =	shalt  }
0x5b: {  	_ =	shalt  }
0x5c: {  	_ =	shalt  }
0x5d: {  	_ =	shalt  }
0x5e: {  	_ =	shalt  }
0x5f: {  	_ =	shalt  }
0x60: {  	_ =	shalt  }
0x61: {  	_ =	shalt  }
0x62: {  	_ =	shalt  }
0x63: {  	_ =	shalt  }
0x64: {  	_ =	shalt  }
0x65: {  	_ =	shalt  }
0x66: {  	_ =	shalt  }
0x67: {  	_ =	shalt  }
0x68: {  	_ =	shalt  }
0x69: {  	_ =	shalt  }
0x6a: {  	_ =	shalt  }
0x6b: {  	_ =	shalt  }
0x6c: {  	_ =	shalt  }
0x6d: {  	_ =	shalt  }
0x6e: {  	_ =	shalt  }
0x6f: {  	_ =	shalt  }
0x70: {  	_ =	shalt  }
0x71: {  	_ =	shalt  }
0x72: {  	_ =	shalt  }
0x73: {  	_ =	shalt  }
0x74: {  	_ =	shalt  }
0x75: {  	_ =	shalt  }
0x76: {  	_ =	shalt  }
0x77: {  	_ =	shalt  }
0x78: {  	_ =	shalt  }
0x79: {  	_ =	shalt  }
0x7a: {  	_ =	shalt  }
0x7b: {  	_ =	shalt  }
0x7c: {  	_ =	shalt  }
0x7d: {  	_ =	shalt  }
0x7e: {  	_ =	shalt  }
0x7f: {  	_ =	shalt  }
0x80: {  	_ =	shalt  }
0x81: {  	_ =	shalt  }
0x82: {  	_ =	shalt  }
0x83: {  	_ =	shalt  }
0x84: {  	_ =	shalt  }
0x85: {  	_ =	shalt  }
0x86: {  	_ =	shalt  }
0x87: {  	_ =	shalt  }
.Lfunc_end0:
.L_simem_size_0:
called_computation_lowered:
.L_overlay_start_0:
0x88: {  	s2 =	sld [smem:$0x3FD9]  }
0x89: {  	s3 =	sld [smem:$0x3FFE];
	_ =	sdelay $0x1  }
0x8a: {  	s1 =	srdreg.scid  }
0x8b: {  	s0 =	sand.u32 $0x1, s1  }
0x8c: {  	s17 =	sshll.u32 s0, $0xA;
	s2 =	sadd.s32 s3, s2  }
0x8d: {  	s2 =	sadd.s32 s2, s17  }
0x8e: {  	[smem:$0x3FC6] =	sst s2  }
0x8f: {  	_ = 	snop  }
0x90: {  	s2 =	sld [smem:$0x3FD0];
	(tm) =	ssettm $0x1  }
0x91: {  	s18 =	sld [smem:$0x3FFB];
	_ =	sdelay $0x3  }
0x92: {  	_ =	strace s18  }
0x93: {  	s3 =	sld [smem:$0x3FFC];
	_ =	sdelay $0x3  }
0x94: {  	_ =	strace s3  }
0x95: {  	s3 =	sld [smem:$0x3FFD];
	_ =	sdelay $0x3  }
0x96: {  	_ =	strace s3  }
0x97: {  	_ =	strace $0x8FFFFFFF  }
0x98: {  	s19 =	sld [smem:$0x3FDB];
	_ =	sdelay $0x1  }
0x99: {  	s4 =	simm.s32 $_scs_section_size  }
0x9a: {  	s5 =	simm.s32 $_size__tile_overlayer_lowered;
	s6 =	simm.s32 $_tile_overlayer_lowered  }
0x9b: {  	s22 =	simm.s32 $0x1BFF;
	s21 =	sshll.u32 s6, $0x1;
	s3 =	sadd.s32 s4, s19  }
0x9c: {  	s7 =	simm.s32 $0x0;
	s20 =	sshll.u32 s5, $0x1;
	s5 =	sadd.s32 s21, s3  }
0x9d: {  	[timem:s7], [sflag:s22] =	dma.local [hbm:s5], s20  }
0x9e: {  	_ =	swait.ge [sflag:s22], s20  }
0x9f: {  	s4 =	ssub.s32 $0x0, s20;
	[sflag:s22] =	ssyncset.done $0x0  }
0xa0: {  	[sflag:s22] =	ssyncadd.s32 s4;
	_ =	sdelay $0x1  }
0xa1: {  	s23 =	simm.s32 $0x1B8B  }
0xa2: {  	_ =	swait.ge [sflag:s23], $0x1  }
0xa3: {  	[sflag:s23] =	ssyncset.done $0x0  }
0xa4: {  	s25 =	simm.s32 $0x1B8E;
	s24 =	sld [smem:$0x3FFE];
	[sflag:s23] =	ssyncadd.s32 $0xFFFFFFFF  }
0xa5: {  	s26 =	simm.s32 $execute0_lowered;
	[smem:$0x3FD2] =	sst s25  }
0xa6: {  	s5 =	sshll.u32 s26, $0x1;
	_ =	strace $0x80000046;
	[dreg:$0x1] =	wrdreg $0xFFFFFFFF  }
0xa7: {  	s28 =	simm.s32 $_size_execute0_lowered;
	s3 =	sadd.s32 s3, s5;
	[dreg:$0x0] =	wrdreg $0x0  }
0xa8: {  	s5 =	sshll.u32 s28, $0x1;
	[dreg:$0x2] =	wrdreg s3  }
0xa9: {  	[dreg:$0x3] =	wrdreg s5  }
0xaa: {  	[dreg:$0x4] =	wrdreg $0xC0  }
0xab: {  	_ =	task [dreg:s7], $0x5FFFF  }
0xac: {  	[dreg:$0x1] =	wrdreg $0xFFFFFFFF  }
0xad: {  	[dreg:$0x0] =	wrdreg $0x60  }
0xae: {  	[dreg:$0x2] =	wrdreg s24  }
0xaf: {  	[dreg:$0x3] =	wrdreg s2  }
0xb0: {  	[dreg:$0x4] =	wrdreg $0x9  }
0xb1: {  	_ =	task.clear_ibuf [dreg:s7], $0x5FFFF;
	_ =	strace $0x90000046  }
0xb2: {  	s29 =	simm.s32 $0x9;
	_ =	strace $0x80000048  }
0xb3: {  	_ =	swait.ge [sflag:s29], $0x1  }
0xb4: {  	[sflag:s29] =	ssyncadd.s32 $0xFFFFFFFF  }
0xb5: {  	_ =	strace $0x90000048  }
0xb6: {  	_ =	sfence  }
0xb7: {  	s30 =	sld [smem:$0x0];
	_ =	sdelay $0x2  }
0xb8: {  	s31 =	sshll.u32 s1, $0xD;
	s1 =	sshrl.u32 s1, $0x2  }
0xb9: {  	s3 =	sand.u32 $0x4000, s31;
	s1 =	sadd.s32 s1, s30  }
0xba: {  	s0 =	sor.u32 s3, s0;
	s1 =	sshll.u32 s1, $0x11  }
0xbb: {  	s0 =	sor.u32 s1, s0  }
0xbc: {  	s0 =	sadd.s32 $0x8F2B, s0  }
0xbd: {  	[sflag:s0] =	ssyncadd.remote.s32 $0x1  }
0xbe: {  	_ =	sfence.sel $0xFFFF  }
0xbf: {  	[dreg:$0x0] =	wrdreg $0xFFFFFFFF;
	(pc) =	sbr.abs _section_cstart, $3  }
0xc0: {  	[dreg:$0x1] =	wrdreg $0xFFFFFFFF  }
0xc1: {  	_ =	task.clear_ibuf [dreg:s7], $0x2FFFF;
	_ =	strace $0x9FFFFFFF  }
0xc2: {  	(tm) =	ssettm $0x7FFFFFFF  }
0xc3: {  	_ =	shalt  }
tec
execute0_lowered:
.L_overlay_start_1:
0x0: {  	(tag) =	ssettag $0x1  }
0x1: {  	s0 =	srdreg.scid  }
0x2: {  	s2 =	stileid.u32;
	s1 =	rddreg [dreg:$0x0]  }
0x3: {  	s5 =	rddreg [dreg:$0x1];
	s8 =	simm.s32 $0x68;
	s10 =	simm.s32 $0x60  }
0x4: {  	s13 =	simm.s32 $0x7D00;
	s14 =	simm.s32 $0x130;
	s15 =	simm.s32 $0x8A00  }
0x5: {  	s16 =	simm.s32 $0x190;
	s17 =	simm.s32 $0x9600;
	s18 =	simm.s32 $0x1F8  }
0x6: {  	s19 =	simm.s32 $0xA300;
	s20 =	simm.s32 $0x258;
	s21 =	simm.s32 $0xAF00  }
0x7: {  	s22 =	simm.s32 $0x2C0;
	s23 =	simm.s32 $0xBC00;
	s24 =	simm.s32 $0x1  }
0x8: {  	s25 =	simm.s32 $0x2;
	s26 =	simm.s32 $0x3;
	s28 =	simm.s32 $0x4  }
0x9: {  	s29 =	simm.s32 $0xC800;
	s30 =	simm.s32 $0x0;
	s0 =	sand.u32 $0x1, s0  }
0xa: {  	s2 =	sshll.u32 s2, $0x8;
	s3 =	sshll.u32 s0, $0x7;
	s0 =	ssub.s32 $0x2, s0  }
.Ltmp0:
0xb: {  	s4 =	sor.u32 s3, s2;
	s2 =	simm.s32 $0x0;
	(pc) =	sbr.rel .LBB2_1-.Ltmp0, $4  }
0xc: {  	s31 =	sshrl.u32 s0, $0x1;
	s3 =	smul.u32 $0x19, s4;
	[smem:$0x7FF] =	sst s2  }
0xd: {  	s7 =	sshll.u32 s4, $0x2;
	s0 =	ssub.s32 s0, s31;
	_ =	strace $0x80000047  }
0xe: {  	s5 =	sadd.s32 s5, s7;
	s7 =	simm.s32 $0x5;
	s6 =	sadd.s32 s3, s1  }
0xf: {  	s3 =	sadd.s32 $0xF42A00, s1;
	s4 =	sadd.s32 $0x600, s6;
	s6 =	smax.u32 s0, $0x1  }
.LBB2_12:
0x10: {  	s30 =	sadd.s32 $0x1, s30  }
0x11: {  	p0 =	sne.s32 s30, s6  }
.Ltmp1:
0x12: {  	_ = 	snop;
	(pc) =	sbr.rel @!p0 .LBB2_13-.Ltmp1, $4  }
0x13: {  	[hbm4b:s5+s2] =	stream.linear.scatter [tilespmem:s29], [sflag:$0x5], $0x1000, $0x38;
	[tilespmem:$0xD800] =	vst v63  }
0x14: {  	_ =	swait.ge [sflag:s7], $0x1000  }
0x15: {  	[sflag:s7] =	ssyncset.done $0x0  }
0x16: {  	[sflag:s7] =	ssyncadd.s32 $0xFFFFF000  }
.LBB2_1:
0x17: {  	[tilespmem:s2], [sflag:$0x5] =	stream.linear.gather [hbm4b:s4+s2], $0x6400, $0x38;
	[tilespmem:$0xD800] =	vst v63  }
0x18: {  	_ =	swait.ge [sflag:s7], $0x6400  }
0x19: {  	[sflag:s7] =	ssyncset.done $0x0  }
0x1a: {  	s0 =	simm.s32 $0x6400;
	[sflag:s7] =	ssyncadd.s32 $0xFFFF9C00  }
0x1b: {  	[tilespmem:s0], [sflag:$0x1] =	stream.indirect.gather [hbm4b:s3+s8], $0x20, s2, s8, $0xb8;
	[tilespmem:$0xD800] =	vst v63  }
0x1c: {  	s11 =	simm.s32 $0x7100  }
0x1d: {  	[tilespmem:s11], [sflag:$0x1] =	stream.indirect.gather [hbm4b:s3+s10], $0x20, s8, s10, $0xb8;
	[tilespmem:$0xD800] =	vst v63  }
0x1e: {  	s12 =	simm.s32 $0xC8  }
0x1f: {  	[tilespmem:s13], [sflag:$0x2] =	stream.indirect.gather [hbm4b:s3+s8], $0x20, s12, s8, $0xb8;
	[tilespmem:$0xD800] =	vst v63  }
0x20: {  	_ = 	snop  }
0x21: {  	[tilespmem:s15], [sflag:$0x2] =	stream.indirect.gather [hbm4b:s3+s10], $0x20, s14, s10, $0xb8;
	[tilespmem:$0xD800] =	vst v63  }
0x22: {  	_ = 	snop  }
0x23: {  	[tilespmem:s17], [sflag:$0x3] =	stream.indirect.gather [hbm4b:s3+s8], $0x20, s16, s8, $0xb8;
	[tilespmem:$0xD800] =	vst v63  }
0x24: {  	_ = 	snop  }
0x25: {  	[tilespmem:s19], [sflag:$0x3] =	stream.indirect.gather [hbm4b:s3+s10], $0x20, s18, s10, $0xb8;
	[tilespmem:$0xD800] =	vst v63  }
0x26: {  	_ = 	snop  }
0x27: {  	[tilespmem:s21], [sflag:$0x4] =	stream.indirect.gather [hbm4b:s3+s8], $0x20, s20, s8, $0xb8;
	[tilespmem:$0xD800] =	vst v63  }
0x28: {  	s31 =	simm.s32 $0x0  }
0x29: {  	[tilespmem:s23], [sflag:$0x4] =	stream.indirect.gather [hbm4b:s3+s10], $0x20, s22, s10, $0xb8;
	[tilespmem:$0xD800] =	vst v63  }
.LBB2_2:
0x2a: {  	_ =	swait.ge [sflag:s24], $0xD00  }
0x2b: {  	[sflag:s24] =	ssyncset.done $0x0  }
0x2c: {  	[sflag:s24] =	ssyncadd.s32 $0xFFFFF300  }
0x2d: {  	_ =	swait.ge [sflag:s24], $0xC00  }
0x2e: {  	[sflag:s24] =	ssyncset.done $0x0  }
0x2f: {  	s0 =	simm.s32 $0x0;
	[sflag:s24] =	ssyncadd.s32 $0xFFFFF400  }
0x30: {  	v0 =	vld [tilespmem:s0+$0x64C0]  }
0x31: {  	v1 =	vld [tilespmem:s0+$0x64D0]  }
0x32: {  	v2 =	vld [tilespmem:s0+$0x6480]  }
0x33: {  	v3 =	vld [tilespmem:s0+$0x6490]  }
0x34: {  	v4 =	vld [tilespmem:s0+$0x6440]  }
0x35: {  	v5 =	vld [tilespmem:s0+$0x6450]  }
0x36: {  	v10 =	vld [tilespmem:s0+$0x6400]  }
0x37: {  	v6 =	vimm.f32 $0.0e+00;
	v11 =	vld [tilespmem:s0+$0x6410]  }
0x38: {  	s1 =	simm.s32 $0x400;
	v7 =	vimm.f32 $0.0e+00;
	v9 =	vimm.f32 $0.0e+00;
	v8 =	vimm.f32 $0.0e+00;
	v12 =	vld [tilespmem:s0+$0x6420]  }
.LBB2_3:
0x39: {  	p0 =	sne.s32 s1, $0x6000;
	v13 =	vld [tilespmem:s0+$0x6430]  }
0x3a: {  	v14 =	vld [tilespmem:s0+$0x6460]  }
0x3b: {  	v15 =	vld [tilespmem:s0+$0x6470]  }
0x3c: {  	v16 =	vld [tilespmem:s0+$0x64A0]  }
0x3d: {  	v6 =	vadd.f32 v10, v6;
	v7 =	vadd.f32 v11, v7;
	v10 =	vld [tilespmem:s0+$0x64B0]  }
0x3e: {  	v9 =	vadd.f32 v12, v9;
	v8 =	vadd.f32 v13, v8;
	v11 =	vld [tilespmem:s0+$0x64E0]  }
0x3f: {  	v4 =	vadd.f32 v4, v6;
	v5 =	vadd.f32 v5, v7;
	v12 =	vld [tilespmem:s0+$0x64F0];
	s0 =	sshra.s32 s1, $0x2  }
0x40: {  	v6 =	vadd.f32 v14, v9;
	v13 =	vld [tilespmem:s0+$0x64C0];
	v7 =	vadd.f32 v15, v8  }
0x41: {  	v4 =	vadd.f32 v2, v4;
	v5 =	vadd.f32 v3, v5;
	v14 =	vld [tilespmem:s0+$0x64D0]  }
0x42: {  	v8 =	vadd.f32 v16, v6;
	v2 =	vld [tilespmem:s0+$0x6480];
	v10 =	vadd.f32 v10, v7  }
0x43: {  	v6 =	vadd.f32 v0, v4;
	v7 =	vadd.f32 v1, v5;
	v3 =	vld [tilespmem:s0+$0x6490]  }
.Ltmp2:
0x44: {  	v9 =	vadd.f32 v11, v8;
	v4 =	vld [tilespmem:s0+$0x6440];
	v8 =	vadd.f32 v12, v10;
	(pc) =	sbr.rel @p0 .LBB2_3-.Ltmp2, $4  }
0x45: {  	v5 =	vld [tilespmem:s0+$0x6450];
	v0 =	vmov v13  }
0x46: {  	v10 =	vld [tilespmem:s0+$0x6400];
	v1 =	vmov v14  }
0x47: {  	v11 =	vld [tilespmem:s0+$0x6410]  }
0x48: {  	s1 =	sadd.s32 $0x400, s1;
	v12 =	vld [tilespmem:s0+$0x6420]  }
0x49: {  	v13 =	vld [tilespmem:s0+$0x6430]  }
0x4a: {  	v14 =	vld [tilespmem:s0+$0x6460]  }
0x4b: {  	v15 =	vld [tilespmem:s0+$0x6470]  }
0x4c: {  	v16 =	vld [tilespmem:s0+$0x64A0]  }
0x4d: {  	v6 =	vadd.f32 v10, v6;
	v10 =	vld [tilespmem:s0+$0x64B0];
	v9 =	vadd.f32 v12, v9  }
0x4e: {  	v7 =	vadd.f32 v11, v7;
	v11 =	vld [tilespmem:s0+$0x64E0];
	v8 =	vadd.f32 v13, v8  }
0x4f: {  	v4 =	vadd.f32 v4, v6;
	v6 =	vld [tilespmem:s0+$0x64F0];
	v9 =	vadd.f32 v14, v9  }
0x50: {  	v5 =	vadd.f32 v5, v7;
	v7 =	vadd.f32 v15, v8  }
0x51: {  	v2 =	vadd.f32 v2, v4;
	v4 =	vadd.f32 v16, v9  }
0x52: {  	v3 =	vadd.f32 v3, v5;
	v5 =	vadd.f32 v10, v7  }
0x53: {  	v0 =	vadd.f32 v0, v2;
	v2 =	vadd.f32 v11, v4  }
0x54: {  	v1 =	vadd.f32 v1, v3;
	v3 =	vadd.f32 v6, v5  }
0x55: {  	v0 =	vadd.f32 v2, v0  }
0x56: {  	p0 =	seq.s32 s31, $0x1F;
	v1 =	vadd.f32 v3, v1  }
0x57: {  	s12 =	sshll.u32 s31, $0x7;
	s9 =	smul.u32 @!p0 $0xC80, s31;
	v0 =	vmul.f32 $4.999999890e-03, v0  }
0x58: {  	s1 =	sand.u32 $0x3FFFFF80, s12;
	v1 =	vmul.f32 $4.999999890e-03, v1  }
0x59: {  	s0 =	sshra.s32 @!p0 s9, $0x2;
	[tilespmem:s1+$0xC800] =	vst v0  }
0x5a: {  	s11 =	simm.s32 @!p0 $0x68;
	s12 =	simm.s32 @!p0 $0x6400;
	s9 =	sadd.s32 @!p0 $0x320, s0;
	[tilespmem:s1+$0xC810] =	vst v1  }
0x5b: {  	[tilespmem:s12], [sflag:$0x1] =	stream.indirect.gather @!p0 [hbm4b:s3+s11], $0x20, s9, s11, $0xb8;
	[tilespmem:$0xD800] =	vst v63  }
0x5c: {  	s9 =	sadd.s32 @!p0 $0x388, s0;
	s11 =	simm.s32 @!p0 $0x60;
	s12 =	simm.s32 @!p0 $0x7100  }
0x5d: {  	[tilespmem:s12], [sflag:$0x1] =	stream.indirect.gather @!p0 [hbm4b:s3+s11], $0x20, s9, s11, $0xb8;
	[tilespmem:$0xD800] =	vst v63  }
0x5e: {  	_ =	swait.ge [sflag:s25], $0xD00  }
0x5f: {  	[sflag:s25] =	ssyncset.done $0x0  }
0x60: {  	[sflag:s25] =	ssyncadd.s32 $0xFFFFF300  }
0x61: {  	_ =	swait.ge [sflag:s25], $0xC00  }
0x62: {  	[sflag:s25] =	ssyncset.done $0x0  }
0x63: {  	s9 =	simm.s32 $0x0;
	[sflag:s25] =	ssyncadd.s32 $0xFFFFF400  }
0x64: {  	v0 =	vld [tilespmem:s9+$0x7DC0]  }
0x65: {  	v1 =	vld [tilespmem:s9+$0x7DD0]  }
0x66: {  	v2 =	vld [tilespmem:s9+$0x7D80]  }
0x67: {  	v3 =	vld [tilespmem:s9+$0x7D90]  }
0x68: {  	v4 =	vld [tilespmem:s9+$0x7D40]  }
0x69: {  	v5 =	vld [tilespmem:s9+$0x7D50]  }
0x6a: {  	v10 =	vld [tilespmem:s9+$0x7D00]  }
0x6b: {  	v8 =	vimm.f32 $0.0e+00;
	v11 =	vld [tilespmem:s9+$0x7D10]  }
0x6c: {  	v9 =	vimm.f32 $0.0e+00;
	v7 =	vimm.f32 $0.0e+00;
	v6 =	vimm.f32 $0.0e+00;
	s11 =	simm.s32 $0x400;
	v12 =	vld [tilespmem:s9+$0x7D20]  }
.LBB2_5:
0x6d: {  	p1 =	sne.s32 s11, $0x6000;
	v13 =	vld [tilespmem:s9+$0x7D30]  }
0x6e: {  	v14 =	vld [tilespmem:s9+$0x7D60]  }
0x6f: {  	v15 =	vld [tilespmem:s9+$0x7D70]  }
0x70: {  	v16 =	vld [tilespmem:s9+$0x7DA0]  }
0x71: {  	v6 =	vadd.f32 v10, v6;
	v7 =	vadd.f32 v11, v7;
	v10 =	vld [tilespmem:s9+$0x7DB0]  }
0x72: {  	v9 =	vadd.f32 v12, v9;
	v8 =	vadd.f32 v13, v8;
	v11 =	vld [tilespmem:s9+$0x7DE0]  }
0x73: {  	v4 =	vadd.f32 v4, v6;
	v5 =	vadd.f32 v5, v7;
	v12 =	vld [tilespmem:s9+$0x7DF0];
	s9 =	sshra.s32 s11, $0x2  }
0x74: {  	v6 =	vadd.f32 v14, v9;
	v13 =	vld [tilespmem:s9+$0x7DC0];
	v7 =	vadd.f32 v15, v8  }
0x75: {  	v4 =	vadd.f32 v2, v4;
	v5 =	vadd.f32 v3, v5;
	v14 =	vld [tilespmem:s9+$0x7DD0]  }
0x76: {  	v8 =	vadd.f32 v16, v6;
	v2 =	vld [tilespmem:s9+$0x7D80];
	v10 =	vadd.f32 v10, v7  }
0x77: {  	v6 =	vadd.f32 v0, v4;
	v7 =	vadd.f32 v1, v5;
	v3 =	vld [tilespmem:s9+$0x7D90]  }
.Ltmp3:
0x78: {  	v9 =	vadd.f32 v11, v8;
	v4 =	vld [tilespmem:s9+$0x7D40];
	v8 =	vadd.f32 v12, v10;
	(pc) =	sbr.rel @p1 .LBB2_5-.Ltmp3, $4  }
0x79: {  	v5 =	vld [tilespmem:s9+$0x7D50];
	v0 =	vmov v13  }
0x7a: {  	v10 =	vld [tilespmem:s9+$0x7D00];
	v1 =	vmov v14  }
0x7b: {  	v11 =	vld [tilespmem:s9+$0x7D10]  }
0x7c: {  	s11 =	sadd.s32 $0x400, s11;
	v12 =	vld [tilespmem:s9+$0x7D20]  }
0x7d: {  	v13 =	vld [tilespmem:s9+$0x7D30]  }
0x7e: {  	v14 =	vld [tilespmem:s9+$0x7D60]  }
0x7f: {  	v15 =	vld [tilespmem:s9+$0x7D70]  }
0x80: {  	v16 =	vld [tilespmem:s9+$0x7DA0]  }
0x81: {  	v6 =	vadd.f32 v10, v6;
	v10 =	vld [tilespmem:s9+$0x7DB0];
	v9 =	vadd.f32 v12, v9  }
0x82: {  	v7 =	vadd.f32 v11, v7;
	v11 =	vld [tilespmem:s9+$0x7DE0];
	v8 =	vadd.f32 v13, v8  }
0x83: {  	v4 =	vadd.f32 v4, v6;
	v6 =	vld [tilespmem:s9+$0x7DF0];
	v9 =	vadd.f32 v14, v9  }
0x84: {  	v5 =	vadd.f32 v5, v7;
	v7 =	vadd.f32 v15, v8  }
0x85: {  	v2 =	vadd.f32 v2, v4;
	v4 =	vadd.f32 v16, v9  }
0x86: {  	v3 =	vadd.f32 v3, v5;
	v5 =	vadd.f32 v10, v7  }
0x87: {  	v0 =	vadd.f32 v0, v2;
	v2 =	vadd.f32 v11, v4  }
0x88: {  	v1 =	vadd.f32 v1, v3;
	v3 =	vadd.f32 v6, v5  }
0x89: {  	v0 =	vadd.f32 v2, v0  }
0x8a: {  	v1 =	vadd.f32 v3, v1  }
0x8b: {  	v0 =	vmul.f32 $4.999999890e-03, v0  }
0x8c: {  	v1 =	vmul.f32 $4.999999890e-03, v1  }
0x8d: {  	[tilespmem:s1+$0xC820] =	vst v0  }
0x8e: {  	s11 =	simm.s32 @!p0 $0x68;
	s12 =	simm.s32 @!p0 $0x7D00;
	s9 =	sadd.s32 @!p0 $0x3E8, s0;
	[tilespmem:s1+$0xC830] =	vst v1  }
0x8f: {  	[tilespmem:s12], [sflag:$0x2] =	stream.indirect.gather @!p0 [hbm4b:s3+s11], $0x20, s9, s11, $0xb8;
	[tilespmem:$0xD800] =	vst v63  }
0x90: {  	s9 =	sadd.s32 @!p0 $0x450, s0;
	s11 =	simm.s32 @!p0 $0x60;
	s12 =	simm.s32 @!p0 $0x8A00  }
0x91: {  	[tilespmem:s12], [sflag:$0x2] =	stream.indirect.gather @!p0 [hbm4b:s3+s11], $0x20, s9, s11, $0xb8;
	[tilespmem:$0xD800] =	vst v63  }
0x92: {  	_ =	swait.ge [sflag:s26], $0xD00  }
0x93: {  	[sflag:s26] =	ssyncset.done $0x0  }
0x94: {  	[sflag:s26] =	ssyncadd.s32 $0xFFFFF300  }
0x95: {  	_ =	swait.ge [sflag:s26], $0xC00  }
0x96: {  	[sflag:s26] =	ssyncset.done $0x0  }
0x97: {  	s9 =	simm.s32 $0x0;
	[sflag:s26] =	ssyncadd.s32 $0xFFFFF400  }
0x98: {  	v0 =	vld [tilespmem:s9+$0x96C0]  }
0x99: {  	v1 =	vld [tilespmem:s9+$0x96D0]  }
0x9a: {  	v2 =	vld [tilespmem:s9+$0x9680]  }
0x9b: {  	v3 =	vld [tilespmem:s9+$0x9690]  }
0x9c: {  	v4 =	vld [tilespmem:s9+$0x9640]  }
0x9d: {  	v5 =	vld [tilespmem:s9+$0x9650]  }
0x9e: {  	v10 =	vld [tilespmem:s9+$0x9600]  }
0x9f: {  	v8 =	vimm.f32 $0.0e+00;
	v11 =	vld [tilespmem:s9+$0x9610]  }
0xa0: {  	v9 =	vimm.f32 $0.0e+00;
	v7 =	vimm.f32 $0.0e+00;
	v6 =	vimm.f32 $0.0e+00;
	s11 =	simm.s32 $0x400;
	v12 =	vld [tilespmem:s9+$0x9620]  }
.LBB2_7:
0xa1: {  	p1 =	sne.s32 s11, $0x6000;
	v13 =	vld [tilespmem:s9+$0x9630]  }
0xa2: {  	v14 =	vld [tilespmem:s9+$0x9660]  }
0xa3: {  	v15 =	vld [tilespmem:s9+$0x9670]  }
0xa4: {  	v16 =	vld [tilespmem:s9+$0x96A0]  }
0xa5: {  	v6 =	vadd.f32 v10, v6;
	v7 =	vadd.f32 v11, v7;
	v10 =	vld [tilespmem:s9+$0x96B0]  }
0xa6: {  	v9 =	vadd.f32 v12, v9;
	v8 =	vadd.f32 v13, v8;
	v11 =	vld [tilespmem:s9+$0x96E0]  }
0xa7: {  	v4 =	vadd.f32 v4, v6;
	v5 =	vadd.f32 v5, v7;
	v12 =	vld [tilespmem:s9+$0x96F0];
	s9 =	sshra.s32 s11, $0x2  }
0xa8: {  	v6 =	vadd.f32 v14, v9;
	v13 =	vld [tilespmem:s9+$0x96C0];
	v7 =	vadd.f32 v15, v8  }
0xa9: {  	v4 =	vadd.f32 v2, v4;
	v5 =	vadd.f32 v3, v5;
	v14 =	vld [tilespmem:s9+$0x96D0]  }
0xaa: {  	v8 =	vadd.f32 v16, v6;
	v2 =	vld [tilespmem:s9+$0x9680];
	v10 =	vadd.f32 v10, v7  }
0xab: {  	v6 =	vadd.f32 v0, v4;
	v7 =	vadd.f32 v1, v5;
	v3 =	vld [tilespmem:s9+$0x9690]  }
.Ltmp4:
0xac: {  	v9 =	vadd.f32 v11, v8;
	v4 =	vld [tilespmem:s9+$0x9640];
	v8 =	vadd.f32 v12, v10;
	(pc) =	sbr.rel @p1 .LBB2_7-.Ltmp4, $4  }
0xad: {  	v5 =	vld [tilespmem:s9+$0x9650];
	v0 =	vmov v13  }
0xae: {  	v10 =	vld [tilespmem:s9+$0x9600];
	v1 =	vmov v14  }
0xaf: {  	v11 =	vld [tilespmem:s9+$0x9610]  }
0xb0: {  	s11 =	sadd.s32 $0x400, s11;
	v12 =	vld [tilespmem:s9+$0x9620]  }
0xb1: {  	v13 =	vld [tilespmem:s9+$0x9630]  }
0xb2: {  	v14 =	vld [tilespmem:s9+$0x9660]  }
0xb3: {  	v15 =	vld [tilespmem:s9+$0x9670]  }
0xb4: {  	v16 =	vld [tilespmem:s9+$0x96A0]  }
0xb5: {  	v6 =	vadd.f32 v10, v6;
	v10 =	vld [tilespmem:s9+$0x96B0];
	v9 =	vadd.f32 v12, v9  }
0xb6: {  	v7 =	vadd.f32 v11, v7;
	v11 =	vld [tilespmem:s9+$0x96E0];
	v8 =	vadd.f32 v13, v8  }
0xb7: {  	v4 =	vadd.f32 v4, v6;
	v6 =	vld [tilespmem:s9+$0x96F0];
	v9 =	vadd.f32 v14, v9  }
0xb8: {  	v5 =	vadd.f32 v5, v7;
	v7 =	vadd.f32 v15, v8  }
0xb9: {  	v2 =	vadd.f32 v2, v4;
	v4 =	vadd.f32 v16, v9  }
0xba: {  	v3 =	vadd.f32 v3, v5;
	v5 =	vadd.f32 v10, v7  }
0xbb: {  	v0 =	vadd.f32 v0, v2;
	v2 =	vadd.f32 v11, v4  }
0xbc: {  	v1 =	vadd.f32 v1, v3;
	v3 =	vadd.f32 v6, v5  }
0xbd: {  	v0 =	vadd.f32 v2, v0  }
0xbe: {  	v1 =	vadd.f32 v3, v1  }
0xbf: {  	v0 =	vmul.f32 $4.999999890e-03, v0  }
0xc0: {  	v1 =	vmul.f32 $4.999999890e-03, v1  }
0xc1: {  	[tilespmem:s1+$0xC840] =	vst v0  }
0xc2: {  	s11 =	simm.s32 @!p0 $0x68;
	s12 =	simm.s32 @!p0 $0x9600;
	s9 =	sadd.s32 @!p0 $0x4B0, s0;
	[tilespmem:s1+$0xC850] =	vst v1  }
0xc3: {  	[tilespmem:s12], [sflag:$0x3] =	stream.indirect.gather @!p0 [hbm4b:s3+s11], $0x20, s9, s11, $0xb8;
	[tilespmem:$0xD800] =	vst v63  }
0xc4: {  	s0 =	sadd.s32 @!p0 $0x518, s0;
	s9 =	simm.s32 @!p0 $0x60;
	s11 =	simm.s32 @!p0 $0xA300  }
0xc5: {  	[tilespmem:s11], [sflag:$0x3] =	stream.indirect.gather @!p0 [hbm4b:s3+s9], $0x20, s0, s9, $0xb8;
	[tilespmem:$0xD800] =	vst v63  }
0xc6: {  	_ =	swait.ge [sflag:s28], $0xD00  }
0xc7: {  	[sflag:s28] =	ssyncset.done $0x0  }
0xc8: {  	[sflag:s28] =	ssyncadd.s32 $0xFFFFF300  }
0xc9: {  	_ =	swait.ge [sflag:s28], $0xC00  }
0xca: {  	[sflag:s28] =	ssyncset.done $0x0  }
0xcb: {  	s0 =	simm.s32 $0x0;
	[sflag:s28] =	ssyncadd.s32 $0xFFFFF400  }
0xcc: {  	v0 =	vld [tilespmem:s0+$0xAFC0]  }
0xcd: {  	v1 =	vld [tilespmem:s0+$0xAFD0]  }
0xce: {  	v2 =	vld [tilespmem:s0+$0xAF80]  }
0xcf: {  	v3 =	vld [tilespmem:s0+$0xAF90]  }
0xd0: {  	v4 =	vld [tilespmem:s0+$0xAF40]  }
0xd1: {  	v5 =	vld [tilespmem:s0+$0xAF50]  }
0xd2: {  	v10 =	vld [tilespmem:s0+$0xAF00]  }
0xd3: {  	v8 =	vimm.f32 $0.0e+00;
	v11 =	vld [tilespmem:s0+$0xAF10]  }
0xd4: {  	v9 =	vimm.f32 $0.0e+00;
	v7 =	vimm.f32 $0.0e+00;
	v6 =	vimm.f32 $0.0e+00;
	s9 =	simm.s32 $0x400;
	v12 =	vld [tilespmem:s0+$0xAF20]  }
.LBB2_9:
0xd5: {  	p1 =	sne.s32 s9, $0x6000;
	v13 =	vld [tilespmem:s0+$0xAF30]  }
0xd6: {  	v14 =	vld [tilespmem:s0+$0xAF60]  }
0xd7: {  	v15 =	vld [tilespmem:s0+$0xAF70]  }
0xd8: {  	v16 =	vld [tilespmem:s0+$0xAFA0]  }
0xd9: {  	v6 =	vadd.f32 v10, v6;
	v7 =	vadd.f32 v11, v7;
	v10 =	vld [tilespmem:s0+$0xAFB0]  }
0xda: {  	v9 =	vadd.f32 v12, v9;
	v8 =	vadd.f32 v13, v8;
	v11 =	vld [tilespmem:s0+$0xAFE0]  }
0xdb: {  	v4 =	vadd.f32 v4, v6;
	v5 =	vadd.f32 v5, v7;
	v12 =	vld [tilespmem:s0+$0xAFF0];
	s0 =	sshra.s32 s9, $0x2  }
0xdc: {  	v6 =	vadd.f32 v14, v9;
	v13 =	vld [tilespmem:s0+$0xAFC0];
	v7 =	vadd.f32 v15, v8  }
0xdd: {  	v4 =	vadd.f32 v2, v4;
	v5 =	vadd.f32 v3, v5;
	v14 =	vld [tilespmem:s0+$0xAFD0]  }
0xde: {  	v8 =	vadd.f32 v16, v6;
	v2 =	vld [tilespmem:s0+$0xAF80];
	v10 =	vadd.f32 v10, v7  }
0xdf: {  	v6 =	vadd.f32 v0, v4;
	v7 =	vadd.f32 v1, v5;
	v3 =	vld [tilespmem:s0+$0xAF90]  }
.Ltmp5:
0xe0: {  	v9 =	vadd.f32 v11, v8;
	v4 =	vld [tilespmem:s0+$0xAF40];
	v8 =	vadd.f32 v12, v10;
	(pc) =	sbr.rel @p1 .LBB2_9-.Ltmp5, $4  }
0xe1: {  	v5 =	vld [tilespmem:s0+$0xAF50];
	v0 =	vmov v13  }
0xe2: {  	v10 =	vld [tilespmem:s0+$0xAF00];
	v1 =	vmov v14  }
0xe3: {  	v11 =	vld [tilespmem:s0+$0xAF10]  }
0xe4: {  	s9 =	sadd.s32 $0x400, s9;
	v12 =	vld [tilespmem:s0+$0xAF20]  }
0xe5: {  	v13 =	vld [tilespmem:s0+$0xAF30]  }
0xe6: {  	v14 =	vld [tilespmem:s0+$0xAF60]  }
0xe7: {  	v15 =	vld [tilespmem:s0+$0xAF70]  }
0xe8: {  	v16 =	vld [tilespmem:s0+$0xAFA0]  }
0xe9: {  	v56 =	vld [tilespmem:s0+$0xAFB0];
	v6 =	vadd.f32 v10, v6;
	v9 =	vadd.f32 v12, v9  }
0xea: {  	v57 =	vld [tilespmem:s0+$0xAFE0];
	v7 =	vadd.f32 v11, v7;
	v8 =	vadd.f32 v13, v8  }
0xeb: {  	v58 =	vld [tilespmem:s0+$0xAFF0];
	v4 =	vadd.f32 v4, v6;
	v9 =	vadd.f32 v14, v9  }
0xec: {  	v5 =	vadd.f32 v5, v7;
	v59 =	vadd.f32 v15, v8  }
0xed: {  	v2 =	vadd.f32 v2, v4;
	v60 =	vadd.f32 v16, v9  }
0xee: {  	v3 =	vadd.f32 v3, v5;
	v61 =	vadd.f32 v56, v59  }
0xef: {  	v0 =	vadd.f32 v0, v2;
	v62 =	vadd.f32 v57, v60  }
0xf0: {  	v1 =	vadd.f32 v1, v3;
	v63 =	vadd.f32 v58, v61  }
0xf1: {  	v0 =	vadd.f32 v62, v0  }
.Ltmp6:
0xf2: {  	v1 =	vadd.f32 v63, v1;
	(pc) =	sbr.rel @p0 .LBB2_12-.Ltmp6, $4  }
0xf3: {  	v0 =	vmul.f32 $4.999999890e-03, v0  }
0xf4: {  	v1 =	vmul.f32 $4.999999890e-03, v1  }
0xf5: {  	[tilespmem:s1+$0xC860] =	vst v0  }
0xf6: {  	[tilespmem:s1+$0xC870] =	vst v1  }
0xf7: {  	s0 =	smul.u32 $0xC80, s31;
	_ =	sdelay $0x1  }
.Ltmp7:
0xf8: {  	s0 =	sshra.s32 s0, $0x2;
	(pc) =	sbr.rel .LBB2_2-.Ltmp7, $4  }
0xf9: {  	s1 =	sadd.s32 $0x578, s0  }
0xfa: {  	[tilespmem:s21], [sflag:$0x4] =	stream.indirect.gather [hbm4b:s3+s8], $0x20, s1, s8, $0xb8;
	[tilespmem:$0xD800] =	vst v63  }
0xfb: {  	s31 =	sadd.s32 $0x1, s31;
	s0 =	sadd.s32 $0x5E0, s0  }
0xfc: {  	[tilespmem:s23], [sflag:$0x4] =	stream.indirect.gather [hbm4b:s3+s10], $0x20, s0, s10, $0xb8;
	[tilespmem:$0xD800] =	vst v63  }
.LBB2_13:
0xfd: {  	_ =	sfence.sel $0x180000  }
0xfe: {  	[bflag:$0x0] =	sbarrier.arrive $0xFFFF  }
0xff: {  	_ =	strace $0x90000047  }
0x100: {  	s0 =	stileid.u32;
	[bflag:$0x2] =	sbarrier.arrive $0xFFFF  }
0x101: {  	p0 =	sne.s32 s0, $0x0;
	s0 =	rddreg [dreg:$0x2]  }
0x102: {  	s0 =	sadd.s32 @!p0 $0x100000, s0  }
0x103: {  	[sflag:s0] =	ssyncadd.tile.s32 @!p0 $0x1;
	_ =	shalt  }
.Lfunc_end2:
_tile_overlayer_lowered:
.L_overlay_start_2:
0x104: {  	(tag) =	ssettag $0x2  }
0x105: {  	s0 =	rddreg [dreg:$0x0];
	s2 =	stileid.u32  }
0x106: {  	s1 =	rddreg [dreg:$0x1];
	p0 =	sne.s32 s2, $0x0  }
0x107: {  	s3 =	rddreg [dreg:$0x2];
	[bflag:$0x3] =	sbarrier.arrive $0xFFFF;
	s2 =	simm.s32 @!p0 $0x1C05  }
0x108: {  	[timem:s3], [sflag:s2] =	dma.local @!p0 [hbm:s0], s1  }
0x109: {  	s0 =	simm.s32 @!p0 $0x5  }
0x10a: {  	_ =	swait.ge @!p0 [sflag:s0], s1  }
0x10b: {  	s1 =	ssub.s32 @!p0 $0x0, s1;
	[sflag:s0] =	ssyncset.done @!p0 $0x0  }
0x10c: {  	[sflag:s0] =	ssyncadd.s32 @!p0 s1  }
0x10d: {  	[bflag:$0x3] =	sbarrier.arrive $0xFFFF  }
0x10e: {  	_ =	shalt  }

</sc_bundles>
